<compile_context>
chip_gen: v7x
topology: tpu7x:2x2x1
jax: 0.10.2.dev20260603
libtpu: 0.0.44.dev20260713+nightly
codegen_flags: <defaults>
</compile_context>

<pallas_src>
import functools

import jax
import jax.numpy as jnp
from jax import lax
from jax.experimental import pallas as pl
from jax.experimental.pallas import tpu as pltpu
from jax.experimental.pallas import tpu_sc as plsc

BATCH = 16384
HIST = 200
EMBED = 32
B = BATCH * HIST
LANE = 128
NROW = B // LANE

_info = plsc.get_sparse_core_info()
NC, NS = _info.num_cores, _info.num_subcores
NW = NC * NS
ROWS_PW = NROW // NW
R = 10
NCHUNK = ROWS_PW // R
NPAIR = NCHUNK // 2

_mesh = plsc.VectorSubcoreMesh(core_axis_name="c", subcore_axis_name="s")


@functools.partial(
    pl.kernel,
    mesh=_mesh,
    out_type=jax.ShapeDtypeStruct((NROW, LANE, EMBED), jnp.float32),
    compiler_params=pltpu.CompilerParams(use_tc_tiling_on_sc=False),
    scratch_types=[
        pltpu.VMEM((R, LANE), jnp.int32),
        pltpu.VMEM((R, LANE), jnp.int32),
        pltpu.VMEM((R, LANE, EMBED), jnp.float32),
        pltpu.VMEM((R, LANE, EMBED), jnp.float32),
        pltpu.SemaphoreType.DMA,
        pltpu.SemaphoreType.DMA,
        pltpu.SemaphoreType.DMA,
        pltpu.SemaphoreType.DMA,
    ],
)
def _embed_lookup(idx_hbm, table_hbm, out_hbm, idx0, idx1, rows0, rows1,
                  gsem0, gsem1, wsem0, wsem1):
    wid = lax.axis_index("s") * NC + lax.axis_index("c")
    base = wid * ROWS_PW
    idx = (idx0, idx1)
    rows = (rows0, rows1)
    gsem = (gsem0, gsem1)
    wsem = (wsem0, wsem1)

    def load_idx(b, off):
        pltpu.sync_copy(idx_hbm.at[pl.ds(off, R)], idx[b])

    def fire_gather(b):
        for r in range(R):
            pltpu.async_copy(table_hbm.at[idx[b].at[r]], rows[b].at[r],
                             gsem[b])

    def drain_gather(b):
        for r in range(R):
            pltpu.make_async_copy(table_hbm.at[idx[b].at[r]], rows[b].at[r],
                                  gsem[b]).wait()

    def fire_write(b, off):
        pltpu.async_copy(rows[b], out_hbm.at[pl.ds(off, R)], wsem[b])

    def drain_write(b):
        pltpu.make_async_copy(rows[b], out_hbm.at[pl.ds(0, R)],
                              wsem[b]).wait()

    load_idx(0, base)
    fire_gather(0)

    def body(g, carry):
        off0 = base + 2 * g * R

        load_idx(1, off0 + R)

        @pl.when(g > 0)
        def _():
            drain_write(1)

        fire_gather(1)
        drain_gather(0)
        fire_write(0, off0)

        @pl.when(g < NPAIR - 1)
        def _():
            load_idx(0, off0 + 2 * R)
            drain_write(0)
            fire_gather(0)

        drain_gather(1)
        fire_write(1, off0 + R)
        return carry

    lax.fori_loop(0, NPAIR, body, 0)
    drain_write(0)
    drain_write(1)


def kernel(action, table):
    flat = action.reshape(NROW, LANE)
    out = _embed_lookup(flat, table)
    return out.reshape(BATCH, HIST, EMBED)

# --- scband reference (transcript-rebuilt; emitter-appended) ---
"""Pipeline reference for scband-action-embedding-12154757448217 (READ-ONLY COPY).

The authoritative reference and input builder live on the scoring server;
editing this copy changes nothing except your own understanding.
"""

import jax, jax.numpy as jnp
import numpy as np

NUM_ACTIONS = 1000000
EMBED_DIM = 32
BATCH = 16384
HIST = 200

def setup_inputs(seed: int = 0) -> dict:
    key = jax.random.key(seed)
    k_idx, k_w = jax.random.split(key)
    action = jax.random.randint(k_idx, (BATCH, HIST), 0, NUM_ACTIONS, dtype=jnp.int64 if jax.config.read('jax_enable_x64') else jnp.int32)
    # nn.Embedding default init: N(0, 1)
    table = jax.random.normal(k_w, (NUM_ACTIONS, EMBED_DIM), dtype=jnp.float32)
    return {"action": action, "table": table}

def reference(action, table):
    # nn.Embedding forward: gather rows of the table by index
    return jnp.take(table, action, axis=0)

if __name__ == "__main__":
    import jax
    _d = setup_inputs()
    print(jax.jit(kernel)(*tuple(_d.values())))

</pallas_src>

<mosaic_0001>
#map = affine_map<(d0, d1) -> (0, 0)>
#map1 = affine_map<(d0, d1) -> (0, 0, 0)>
module attributes {stable_mosaic.version = 14 : i64} {
  func.func @_embed_lookup(%arg0: i32, %arg1: i32, %arg2: memref<25600x128xi32, #tpu.memory_space<hbm>>, %arg3: memref<1000000x32xf32, #tpu.memory_space<hbm>>, %arg4: memref<25600x128x32xf32, #tpu.memory_space<hbm>>, %arg5: memref<10x128xi32, #tpu.memory_space<vmem>>, %arg6: memref<10x128xi32, #tpu.memory_space<vmem>>, %arg7: memref<10x128x32xf32, #tpu.memory_space<vmem>>, %arg8: memref<10x128x32xf32, #tpu.memory_space<vmem>>, %arg9: memref<!tpu.dma_semaphore, #tpu.memory_space<semaphore_mem>>, %arg10: memref<!tpu.dma_semaphore, #tpu.memory_space<semaphore_mem>>, %arg11: memref<!tpu.dma_semaphore, #tpu.memory_space<semaphore_mem>>, %arg12: memref<!tpu.dma_semaphore, #tpu.memory_space<semaphore_mem>>) attributes {dimension_semantics = [#tpu.dimension_semantics<core_parallel>, #tpu.dimension_semantics<subcore_parallel>], iteration_bounds = array<i64: 2, 16>, scalar_prefetch = 0 : i64, scratch_operands = 8 : i64, tpu.core_type = #tpu.core_type<sc_vector_subcore>, window_params = [{transform_indices = #map}, {transform_indices = #map}, {transform_indices = #map1}]} {
    %mul3A = arith.constant 2 : i32
    %mul3A_0 = arith.muli %arg1, %mul3A : i32
    %add3A = arith.addi %mul3A_0, %arg0 : i32
    %mul3A_1 = arith.constant 800 : i32
    %mul3A_2 = arith.muli %add3A, %mul3A_1 : i32
    "tpu.region"() ({
      %run_scoped3A = tpu.sem_alloc : memref<!tpu.dma_semaphore, #tpu.memory_space<semaphore_mem>>
      %dma_start3A_142 = arith.constant 0 : i32
      %dma_start3A_143 = tpu.memref_slice %arg2[%mul3A_2, %dma_start3A_142] : memref<25600x128xi32, #tpu.memory_space<hbm>> -> memref<10x128xi32, #tpu.memory_space<hbm>>
      %dma_start3A_144 = arith.constant 0 : i32
      %dma_start3A_145 = tpu.memref_slice %arg2[%mul3A_2, %dma_start3A_144] : memref<25600x128xi32, #tpu.memory_space<hbm>> -> memref<10x128xi32, #tpu.memory_space<hbm>>
      tpu.enqueue_dma source(%dma_start3A_145 : memref<10x128xi32, #tpu.memory_space<hbm>>) target(%arg5 : memref<10x128xi32, #tpu.memory_space<vmem>>) target_semaphore(%run_scoped3A : memref<!tpu.dma_semaphore, #tpu.memory_space<semaphore_mem>>)
      %dma_wait3A_146 = arith.constant 0 : i32
      %dma_wait3A_147 = tpu.memref_slice %arg2[%mul3A_2, %dma_wait3A_146] : memref<25600x128xi32, #tpu.memory_space<hbm>> -> memref<10x128xi32, #tpu.memory_space<hbm>>
      %dma_wait3A_148 = arith.constant 0 : i32
      %dma_wait3A_149 = tpu.memref_slice %arg2[%mul3A_2, %dma_wait3A_148] : memref<25600x128xi32, #tpu.memory_space<hbm>> -> memref<10x128xi32, #tpu.memory_space<hbm>>
      tpu.wait_dma2 semaphore(%run_scoped3A : memref<!tpu.dma_semaphore, #tpu.memory_space<semaphore_mem>>) src(%dma_wait3A_149 : memref<10x128xi32, #tpu.memory_space<hbm>>) dst(%arg5 : memref<10x128xi32, #tpu.memory_space<vmem>>)
      tpu.yield
    }) : () -> ()
    %dma_start3A = arith.constant 0 : i32
    %dma_start3A_3 = arith.constant 0 : i32
    %dma_start3A_4 = arith.constant 0 : i32
    %dma_start3A_5 = arith.constant 0 : i32
    %dma_start3A_6 = tpu.memref_slice %arg7[%dma_start3A_3, %dma_start3A_4, %dma_start3A_5] : memref<10x128x32xf32, #tpu.memory_space<vmem>> -> memref<1x128x32xf32, #tpu.memory_space<vmem>>
    %dma_start3A_7 = tpu.memref_squeeze %dma_start3A_6 : memref<1x128x32xf32, #tpu.memory_space<vmem>> -> memref<128x32xf32, #tpu.memory_space<vmem>>
    %dma_start3A_8 = arith.constant 0 : i32
    %dma_start3A_9 = tpu.memref_slice %arg5[%dma_start3A, %dma_start3A_8] : memref<10x128xi32, #tpu.memory_space<vmem>> -> memref<1x128xi32, #tpu.memory_space<vmem>>
    %dma_start3A_10 = tpu.memref_squeeze %dma_start3A_9 : memref<1x128xi32, #tpu.memory_space<vmem>> -> memref<128xi32, #tpu.memory_space<vmem>>
    %dma_start3A_11 = arith.constant 0 : i32
    %dma_start3A_12 = arith.constant 0 : i32
    %dma_start3A_13 = tpu.memref_slice %arg3[%dma_start3A_11, %dma_start3A_12] : memref<1000000x32xf32, #tpu.memory_space<hbm>> -> memref<1000000x32xf32, #tpu.memory_space<hbm>>
    tpu.enqueue_indirect_dma source(%dma_start3A_13 : memref<1000000x32xf32, #tpu.memory_space<hbm>>) target(%dma_start3A_7 : memref<128x32xf32, #tpu.memory_space<vmem>>) offsets(%dma_start3A_10 : memref<128xi32, #tpu.memory_space<vmem>>) semaphore(%arg9 : memref<!tpu.dma_semaphore, #tpu.memory_space<semaphore_mem>>)
    %dma_start3A_14 = arith.constant 1 : i32
    %dma_start3A_15 = arith.constant 1 : i32
    %dma_start3A_16 = arith.constant 0 : i32
    %dma_start3A_17 = arith.constant 0 : i32
    %dma_start3A_18 = tpu.memref_slice %arg7[%dma_start3A_15, %dma_start3A_16, %dma_start3A_17] : memref<10x128x32xf32, #tpu.memory_space<vmem>> -> memref<1x128x32xf32, #tpu.memory_space<vmem>>
    %dma_start3A_19 = tpu.memref_squeeze %dma_start3A_18 : memref<1x128x32xf32, #tpu.memory_space<vmem>> -> memref<128x32xf32, #tpu.memory_space<vmem>>
    %dma_start3A_20 = arith.constant 0 : i32
    %dma_start3A_21 = tpu.memref_slice %arg5[%dma_start3A_14, %dma_start3A_20] : memref<10x128xi32, #tpu.memory_space<vmem>> -> memref<1x128xi32, #tpu.memory_space<vmem>>
    %dma_start3A_22 = tpu.memref_squeeze %dma_start3A_21 : memref<1x128xi32, #tpu.memory_space<vmem>> -> memref<128xi32, #tpu.memory_space<vmem>>
    %dma_start3A_23 = arith.constant 0 : i32
    %dma_start3A_24 = arith.constant 0 : i32
    %dma_start3A_25 = tpu.memref_slice %arg3[%dma_start3A_23, %dma_start3A_24] : memref<1000000x32xf32, #tpu.memory_space<hbm>> -> memref<1000000x32xf32, #tpu.memory_space<hbm>>
    tpu.enqueue_indirect_dma source(%dma_start3A_25 : memref<1000000x32xf32, #tpu.memory_space<hbm>>) target(%dma_start3A_19 : memref<128x32xf32, #tpu.memory_space<vmem>>) offsets(%dma_start3A_22 : memref<128xi32, #tpu.memory_space<vmem>>) semaphore(%arg9 : memref<!tpu.dma_semaphore, #tpu.memory_space<semaphore_mem>>)
    %dma_start3A_26 = arith.constant 2 : i32
    %dma_start3A_27 = arith.constant 2 : i32
    %dma_start3A_28 = arith.constant 0 : i32
    %dma_start3A_29 = arith.constant 0 : i32
    %dma_start3A_30 = tpu.memref_slice %arg7[%dma_start3A_27, %dma_start3A_28, %dma_start3A_29] : memref<10x128x32xf32, #tpu.memory_space<vmem>> -> memref<1x128x32xf32, #tpu.memory_space<vmem>>
    %dma_start3A_31 = tpu.memref_squeeze %dma_start3A_30 : memref<1x128x32xf32, #tpu.memory_space<vmem>> -> memref<128x32xf32, #tpu.memory_space<vmem>>
    %dma_start3A_32 = arith.constant 0 : i32
    %dma_start3A_33 = tpu.memref_slice %arg5[%dma_start3A_26, %dma_start3A_32] : memref<10x128xi32, #tpu.memory_space<vmem>> -> memref<1x128xi32, #tpu.memory_space<vmem>>
    %dma_start3A_34 = tpu.memref_squeeze %dma_start3A_33 : memref<1x128xi32, #tpu.memory_space<vmem>> -> memref<128xi32, #tpu.memory_space<vmem>>
    %dma_start3A_35 = arith.constant 0 : i32
    %dma_start3A_36 = arith.constant 0 : i32
    %dma_start3A_37 = tpu.memref_slice %arg3[%dma_start3A_35, %dma_start3A_36] : memref<1000000x32xf32, #tpu.memory_space<hbm>> -> memref<1000000x32xf32, #tpu.memory_space<hbm>>
    tpu.enqueue_indirect_dma source(%dma_start3A_37 : memref<1000000x32xf32, #tpu.memory_space<hbm>>) target(%dma_start3A_31 : memref<128x32xf32, #tpu.memory_space<vmem>>) offsets(%dma_start3A_34 : memref<128xi32, #tpu.memory_space<vmem>>) semaphore(%arg9 : memref<!tpu.dma_semaphore, #tpu.memory_space<semaphore_mem>>)
    %dma_start3A_38 = arith.constant 3 : i32
    %dma_start3A_39 = arith.constant 3 : i32
    %dma_start3A_40 = arith.constant 0 : i32
    %dma_start3A_41 = arith.constant 0 : i32
    %dma_start3A_42 = tpu.memref_slice %arg7[%dma_start3A_39, %dma_start3A_40, %dma_start3A_41] : memref<10x128x32xf32, #tpu.memory_space<vmem>> -> memref<1x128x32xf32, #tpu.memory_space<vmem>>
    %dma_start3A_43 = tpu.memref_squeeze %dma_start3A_42 : memref<1x128x32xf32, #tpu.memory_space<vmem>> -> memref<128x32xf32, #tpu.memory_space<vmem>>
    %dma_start3A_44 = arith.constant 0 : i32
    %dma_start3A_45 = tpu.memref_slice %arg5[%dma_start3A_38, %dma_start3A_44] : memref<10x128xi32, #tpu.memory_space<vmem>> -> memref<1x128xi32, #tpu.memory_space<vmem>>
    %dma_start3A_46 = tpu.memref_squeeze %dma_start3A_45 : memref<1x128xi32, #tpu.memory_space<vmem>> -> memref<128xi32, #tpu.memory_space<vmem>>
    %dma_start3A_47 = arith.constant 0 : i32
    %dma_start3A_48 = arith.constant 0 : i32
    %dma_start3A_49 = tpu.memref_slice %arg3[%dma_start3A_47, %dma_start3A_48] : memref<1000000x32xf32, #tpu.memory_space<hbm>> -> memref<1000000x32xf32, #tpu.memory_space<hbm>>
    tpu.enqueue_indirect_dma source(%dma_start3A_49 : memref<1000000x32xf32, #tpu.memory_space<hbm>>) target(%dma_start3A_43 : memref<128x32xf32, #tpu.memory_space<vmem>>) offsets(%dma_start3A_46 : memref<128xi32, #tpu.memory_space<vmem>>) semaphore(%arg9 : memref<!tpu.dma_semaphore, #tpu.memory_space<semaphore_mem>>)
    %dma_start3A_50 = arith.constant 4 : i32
    %dma_start3A_51 = arith.constant 4 : i32
    %dma_start3A_52 = arith.constant 0 : i32
    %dma_start3A_53 = arith.constant 0 : i32
    %dma_start3A_54 = tpu.memref_slice %arg7[%dma_start3A_51, %dma_start3A_52, %dma_start3A_53] : memref<10x128x32xf32, #tpu.memory_space<vmem>> -> memref<1x128x32xf32, #tpu.memory_space<vmem>>
    %dma_start3A_55 = tpu.memref_squeeze %dma_start3A_54 : memref<1x128x32xf32, #tpu.memory_space<vmem>> -> memref<128x32xf32, #tpu.memory_space<vmem>>
    %dma_start3A_56 = arith.constant 0 : i32
    %dma_start3A_57 = tpu.memref_slice %arg5[%dma_start3A_50, %dma_start3A_56] : memref<10x128xi32, #tpu.memory_space<vmem>> -> memref<1x128xi32, #tpu.memory_space<vmem>>
    %dma_start3A_58 = tpu.memref_squeeze %dma_start3A_57 : memref<1x128xi32, #tpu.memory_space<vmem>> -> memref<128xi32, #tpu.memory_space<vmem>>
    %dma_start3A_59 = arith.constant 0 : i32
    %dma_start3A_60 = arith.constant 0 : i32
    %dma_start3A_61 = tpu.memref_slice %arg3[%dma_start3A_59, %dma_start3A_60] : memref<1000000x32xf32, #tpu.memory_space<hbm>> -> memref<1000000x32xf32, #tpu.memory_space<hbm>>
    tpu.enqueue_indirect_dma source(%dma_start3A_61 : memref<1000000x32xf32, #tpu.memory_space<hbm>>) target(%dma_start3A_55 : memref<128x32xf32, #tpu.memory_space<vmem>>) offsets(%dma_start3A_58 : memref<128xi32, #tpu.memory_space<vmem>>) semaphore(%arg9 : memref<!tpu.dma_semaphore, #tpu.memory_space<semaphore_mem>>)
    %dma_start3A_62 = arith.constant 5 : i32
    %dma_start3A_63 = arith.constant 5 : i32
    %dma_start3A_64 = arith.constant 0 : i32
    %dma_start3A_65 = arith.constant 0 : i32
    %dma_start3A_66 = tpu.memref_slice %arg7[%dma_start3A_63, %dma_start3A_64, %dma_start3A_65] : memref<10x128x32xf32, #tpu.memory_space<vmem>> -> memref<1x128x32xf32, #tpu.memory_space<vmem>>
    %dma_start3A_67 = tpu.memref_squeeze %dma_start3A_66 : memref<1x128x32xf32, #tpu.memory_space<vmem>> -> memref<128x32xf32, #tpu.memory_space<vmem>>
    %dma_start3A_68 = arith.constant 0 : i32
    %dma_start3A_69 = tpu.memref_slice %arg5[%dma_start3A_62, %dma_start3A_68] : memref<10x128xi32, #tpu.memory_space<vmem>> -> memref<1x128xi32, #tpu.memory_space<vmem>>
    %dma_start3A_70 = tpu.memref_squeeze %dma_start3A_69 : memref<1x128xi32, #tpu.memory_space<vmem>> -> memref<128xi32, #tpu.memory_space<vmem>>
    %dma_start3A_71 = arith.constant 0 : i32
    %dma_start3A_72 = arith.constant 0 : i32
    %dma_start3A_73 = tpu.memref_slice %arg3[%dma_start3A_71, %dma_start3A_72] : memref<1000000x32xf32, #tpu.memory_space<hbm>> -> memref<1000000x32xf32, #tpu.memory_space<hbm>>
    tpu.enqueue_indirect_dma source(%dma_start3A_73 : memref<1000000x32xf32, #tpu.memory_space<hbm>>) target(%dma_start3A_67 : memref<128x32xf32, #tpu.memory_space<vmem>>) offsets(%dma_start3A_70 : memref<128xi32, #tpu.memory_space<vmem>>) semaphore(%arg9 : memref<!tpu.dma_semaphore, #tpu.memory_space<semaphore_mem>>)
    %dma_start3A_74 = arith.constant 6 : i32
    %dma_start3A_75 = arith.constant 6 : i32
    %dma_start3A_76 = arith.constant 0 : i32
    %dma_start3A_77 = arith.constant 0 : i32
    %dma_start3A_78 = tpu.memref_slice %arg7[%dma_start3A_75, %dma_start3A_76, %dma_start3A_77] : memref<10x128x32xf32, #tpu.memory_space<vmem>> -> memref<1x128x32xf32, #tpu.memory_space<vmem>>
    %dma_start3A_79 = tpu.memref_squeeze %dma_start3A_78 : memref<1x128x32xf32, #tpu.memory_space<vmem>> -> memref<128x32xf32, #tpu.memory_space<vmem>>
    %dma_start3A_80 = arith.constant 0 : i32
    %dma_start3A_81 = tpu.memref_slice %arg5[%dma_start3A_74, %dma_start3A_80] : memref<10x128xi32, #tpu.memory_space<vmem>> -> memref<1x128xi32, #tpu.memory_space<vmem>>
    %dma_start3A_82 = tpu.memref_squeeze %dma_start3A_81 : memref<1x128xi32, #tpu.memory_space<vmem>> -> memref<128xi32, #tpu.memory_space<vmem>>
    %dma_start3A_83 = arith.constant 0 : i32
    %dma_start3A_84 = arith.constant 0 : i32
    %dma_start3A_85 = tpu.memref_slice %arg3[%dma_start3A_83, %dma_start3A_84] : memref<1000000x32xf32, #tpu.memory_space<hbm>> -> memref<1000000x32xf32, #tpu.memory_space<hbm>>
    tpu.enqueue_indirect_dma source(%dma_start3A_85 : memref<1000000x32xf32, #tpu.memory_space<hbm>>) target(%dma_start3A_79 : memref<128x32xf32, #tpu.memory_space<vmem>>) offsets(%dma_start3A_82 : memref<128xi32, #tpu.memory_space<vmem>>) semaphore(%arg9 : memref<!tpu.dma_semaphore, #tpu.memory_space<semaphore_mem>>)
    %dma_start3A_86 = arith.constant 7 : i32
    %dma_start3A_87 = arith.constant 7 : i32
    %dma_start3A_88 = arith.constant 0 : i32
    %dma_start3A_89 = arith.constant 0 : i32
    %dma_start3A_90 = tpu.memref_slice %arg7[%dma_start3A_87, %dma_start3A_88, %dma_start3A_89] : memref<10x128x32xf32, #tpu.memory_space<vmem>> -> memref<1x128x32xf32, #tpu.memory_space<vmem>>
    %dma_start3A_91 = tpu.memref_squeeze %dma_start3A_90 : memref<1x128x32xf32, #tpu.memory_space<vmem>> -> memref<128x32xf32, #tpu.memory_space<vmem>>
    %dma_start3A_92 = arith.constant 0 : i32
    %dma_start3A_93 = tpu.memref_slice %arg5[%dma_start3A_86, %dma_start3A_92] : memref<10x128xi32, #tpu.memory_space<vmem>> -> memref<1x128xi32, #tpu.memory_space<vmem>>
    %dma_start3A_94 = tpu.memref_squeeze %dma_start3A_93 : memref<1x128xi32, #tpu.memory_space<vmem>> -> memref<128xi32, #tpu.memory_space<vmem>>
    %dma_start3A_95 = arith.constant 0 : i32
    %dma_start3A_96 = arith.constant 0 : i32
    %dma_start3A_97 = tpu.memref_slice %arg3[%dma_start3A_95, %dma_start3A_96] : memref<1000000x32xf32, #tpu.memory_space<hbm>> -> memref<1000000x32xf32, #tpu.memory_space<hbm>>
    tpu.enqueue_indirect_dma source(%dma_start3A_97 : memref<1000000x32xf32, #tpu.memory_space<hbm>>) target(%dma_start3A_91 : memref<128x32xf32, #tpu.memory_space<vmem>>) offsets(%dma_start3A_94 : memref<128xi32, #tpu.memory_space<vmem>>) semaphore(%arg9 : memref<!tpu.dma_semaphore, #tpu.memory_space<semaphore_mem>>)
    %dma_start3A_98 = arith.constant 8 : i32
    %dma_start3A_99 = arith.constant 8 : i32
    %dma_start3A_100 = arith.constant 0 : i32
    %dma_start3A_101 = arith.constant 0 : i32
    %dma_start3A_102 = tpu.memref_slice %arg7[%dma_start3A_99, %dma_start3A_100, %dma_start3A_101] : memref<10x128x32xf32, #tpu.memory_space<vmem>> -> memref<1x128x32xf32, #tpu.memory_space<vmem>>
    %dma_start3A_103 = tpu.memref_squeeze %dma_start3A_102 : memref<1x128x32xf32, #tpu.memory_space<vmem>> -> memref<128x32xf32, #tpu.memory_space<vmem>>
    %dma_start3A_104 = arith.constant 0 : i32
    %dma_start3A_105 = tpu.memref_slice %arg5[%dma_start3A_98, %dma_start3A_104] : memref<10x128xi32, #tpu.memory_space<vmem>> -> memref<1x128xi32, #tpu.memory_space<vmem>>
    %dma_start3A_106 = tpu.memref_squeeze %dma_start3A_105 : memref<1x128xi32, #tpu.memory_space<vmem>> -> memref<128xi32, #tpu.memory_space<vmem>>
    %dma_start3A_107 = arith.constant 0 : i32
    %dma_start3A_108 = arith.constant 0 : i32
    %dma_start3A_109 = tpu.memref_slice %arg3[%dma_start3A_107, %dma_start3A_108] : memref<1000000x32xf32, #tpu.memory_space<hbm>> -> memref<1000000x32xf32, #tpu.memory_space<hbm>>
    tpu.enqueue_indirect_dma source(%dma_start3A_109 : memref<1000000x32xf32, #tpu.memory_space<hbm>>) target(%dma_start3A_103 : memref<128x32xf32, #tpu.memory_space<vmem>>) offsets(%dma_start3A_106 : memref<128xi32, #tpu.memory_space<vmem>>) semaphore(%arg9 : memref<!tpu.dma_semaphore, #tpu.memory_space<semaphore_mem>>)
    %dma_start3A_110 = arith.constant 9 : i32
    %dma_start3A_111 = arith.constant 9 : i32
    %dma_start3A_112 = arith.constant 0 : i32
    %dma_start3A_113 = arith.constant 0 : i32
    %dma_start3A_114 = tpu.memref_slice %arg7[%dma_start3A_111, %dma_start3A_112, %dma_start3A_113] : memref<10x128x32xf32, #tpu.memory_space<vmem>> -> memref<1x128x32xf32, #tpu.memory_space<vmem>>
    %dma_start3A_115 = tpu.memref_squeeze %dma_start3A_114 : memref<1x128x32xf32, #tpu.memory_space<vmem>> -> memref<128x32xf32, #tpu.memory_space<vmem>>
    %dma_start3A_116 = arith.constant 0 : i32
    %dma_start3A_117 = tpu.memref_slice %arg5[%dma_start3A_110, %dma_start3A_116] : memref<10x128xi32, #tpu.memory_space<vmem>> -> memref<1x128xi32, #tpu.memory_space<vmem>>
    %dma_start3A_118 = tpu.memref_squeeze %dma_start3A_117 : memref<1x128xi32, #tpu.memory_space<vmem>> -> memref<128xi32, #tpu.memory_space<vmem>>
    %dma_start3A_119 = arith.constant 0 : i32
    %dma_start3A_120 = arith.constant 0 : i32
    %dma_start3A_121 = tpu.memref_slice %arg3[%dma_start3A_119, %dma_start3A_120] : memref<1000000x32xf32, #tpu.memory_space<hbm>> -> memref<1000000x32xf32, #tpu.memory_space<hbm>>
    tpu.enqueue_indirect_dma source(%dma_start3A_121 : memref<1000000x32xf32, #tpu.memory_space<hbm>>) target(%dma_start3A_115 : memref<128x32xf32, #tpu.memory_space<vmem>>) offsets(%dma_start3A_118 : memref<128xi32, #tpu.memory_space<vmem>>) semaphore(%arg9 : memref<!tpu.dma_semaphore, #tpu.memory_space<semaphore_mem>>)
    %scan3A = arith.constant 0 : i32
    %scan3A_122 = arith.constant 0 : i32
    %scan3A_123 = arith.constant 40 : i32
    %scan3A_124 = arith.addi %scan3A_122, %scan3A_123 : i32
    %scan3A_125 = arith.constant 1 : i32
    scf.for %scan3A_142 = %scan3A_122 to %scan3A_124 step %scan3A_125  : i32 {
      %mul3A_143 = arith.constant 2 : i32
      %mul3A_144 = arith.muli %mul3A_143, %scan3A_142 : i32
      %mul3A_145 = arith.constant 10 : i32
      %mul3A_146 = arith.muli %mul3A_144, %mul3A_145 : i32
      %add3A_147 = arith.addi %mul3A_2, %mul3A_146 : i32
      %add3A_148 = arith.constant 10 : i32
      %add3A_149 = arith.addi %add3A_147, %add3A_148 : i32
      "tpu.region"() ({
        %run_scoped3A = tpu.sem_alloc : memref<!tpu.dma_semaphore, #tpu.memory_space<semaphore_mem>>
        %dma_start3A_530 = arith.constant 0 : i32
        %dma_start3A_531 = tpu.memref_slice %arg2[%add3A_149, %dma_start3A_530] : memref<25600x128xi32, #tpu.memory_space<hbm>> -> memref<10x128xi32, #tpu.memory_space<hbm>>
        %dma_start3A_532 = arith.constant 0 : i32
        %dma_start3A_533 = tpu.memref_slice %arg2[%add3A_149, %dma_start3A_532] : memref<25600x128xi32, #tpu.memory_space<hbm>> -> memref<10x128xi32, #tpu.memory_space<hbm>>
        tpu.enqueue_dma source(%dma_start3A_533 : memref<10x128xi32, #tpu.memory_space<hbm>>) target(%arg6 : memref<10x128xi32, #tpu.memory_space<vmem>>) target_semaphore(%run_scoped3A : memref<!tpu.dma_semaphore, #tpu.memory_space<semaphore_mem>>)
        %dma_wait3A_534 = arith.constant 0 : i32
        %dma_wait3A_535 = tpu.memref_slice %arg2[%add3A_149, %dma_wait3A_534] : memref<25600x128xi32, #tpu.memory_space<hbm>> -> memref<10x128xi32, #tpu.memory_space<hbm>>
        %dma_wait3A_536 = arith.constant 0 : i32
        %dma_wait3A_537 = tpu.memref_slice %arg2[%add3A_149, %dma_wait3A_536] : memref<25600x128xi32, #tpu.memory_space<hbm>> -> memref<10x128xi32, #tpu.memory_space<hbm>>
        tpu.wait_dma2 semaphore(%run_scoped3A : memref<!tpu.dma_semaphore, #tpu.memory_space<semaphore_mem>>) src(%dma_wait3A_537 : memref<10x128xi32, #tpu.memory_space<hbm>>) dst(%arg6 : memref<10x128xi32, #tpu.memory_space<vmem>>)
        tpu.yield
      }) : () -> ()
      %gt3A = arith.constant 0 : i32
      %gt3A_150 = arith.cmpi sgt, %scan3A_142, %gt3A : i32
      %convert_element_type3A = arith.extui %gt3A_150 : i1 to i32
      %cond3A = arith.constant 0 : i32
      %cond3A_151 = arith.cmpi ne, %convert_element_type3A, %cond3A : i32
      scf.if %cond3A_151 {
        %dma_wait3A_530 = arith.constant 0 : i32
        %dma_wait3A_531 = arith.constant 0 : i32
        %dma_wait3A_532 = arith.constant 0 : i32
        %dma_wait3A_533 = tpu.memref_slice %arg4[%dma_wait3A_530, %dma_wait3A_531, %dma_wait3A_532] : memref<25600x128x32xf32, #tpu.memory_space<hbm>> -> memref<10x128x32xf32, #tpu.memory_space<hbm>>
        %dma_wait3A_534 = arith.constant 0 : i32
        %dma_wait3A_535 = arith.constant 0 : i32
        %dma_wait3A_536 = arith.constant 0 : i32
        %dma_wait3A_537 = tpu.memref_slice %arg4[%dma_wait3A_534, %dma_wait3A_535, %dma_wait3A_536] : memref<25600x128x32xf32, #tpu.memory_space<hbm>> -> memref<10x128x32xf32, #tpu.memory_space<hbm>>
        tpu.wait_dma2 semaphore(%arg12 : memref<!tpu.dma_semaphore, #tpu.memory_space<semaphore_mem>>) src(%arg8 : memref<10x128x32xf32, #tpu.memory_space<vmem>>) dst(%dma_wait3A_537 : memref<10x128x32xf32, #tpu.memory_space<hbm>>)
      } else {
      }
      %dma_start3A_152 = arith.constant 0 : i32
      %dma_start3A_153 = arith.constant 0 : i32
      %dma_start3A_154 = arith.constant 0 : i32
      %dma_start3A_155 = arith.constant 0 : i32
      %dma_start3A_156 = tpu.memref_slice %arg8[%dma_start3A_153, %dma_start3A_154, %dma_start3A_155] : memref<10x128x32xf32, #tpu.memory_space<vmem>> -> memref<1x128x32xf32, #tpu.memory_space<vmem>>
      %dma_start3A_157 = tpu.memref_squeeze %dma_start3A_156 : memref<1x128x32xf32, #tpu.memory_space<vmem>> -> memref<128x32xf32, #tpu.memory_space<vmem>>
      %dma_start3A_158 = arith.constant 0 : i32
      %dma_start3A_159 = tpu.memref_slice %arg6[%dma_start3A_152, %dma_start3A_158] : memref<10x128xi32, #tpu.memory_space<vmem>> -> memref<1x128xi32, #tpu.memory_space<vmem>>
      %dma_start3A_160 = tpu.memref_squeeze %dma_start3A_159 : memref<1x128xi32, #tpu.memory_space<vmem>> -> memref<128xi32, #tpu.memory_space<vmem>>
      %dma_start3A_161 = arith.constant 0 : i32
      %dma_start3A_162 = arith.constant 0 : i32
      %dma_start3A_163 = tpu.memref_slice %arg3[%dma_start3A_161, %dma_start3A_162] : memref<1000000x32xf32, #tpu.memory_space<hbm>> -> memref<1000000x32xf32, #tpu.memory_space<hbm>>
      tpu.enqueue_indirect_dma source(%dma_start3A_163 : memref<1000000x32xf32, #tpu.memory_space<hbm>>) target(%dma_start3A_157 : memref<128x32xf32, #tpu.memory_space<vmem>>) offsets(%dma_start3A_160 : memref<128xi32, #tpu.memory_space<vmem>>) semaphore(%arg10 : memref<!tpu.dma_semaphore, #tpu.memory_space<semaphore_mem>>)
      %dma_start3A_164 = arith.constant 1 : i32
      %dma_start3A_165 = arith.constant 1 : i32
      %dma_start3A_166 = arith.constant 0 : i32
      %dma_start3A_167 = arith.constant 0 : i32
      %dma_start3A_168 = tpu.memref_slice %arg8[%dma_start3A_165, %dma_start3A_166, %dma_start3A_167] : memref<10x128x32xf32, #tpu.memory_space<vmem>> -> memref<1x128x32xf32, #tpu.memory_space<vmem>>
      %dma_start3A_169 = tpu.memref_squeeze %dma_start3A_168 : memref<1x128x32xf32, #tpu.memory_space<vmem>> -> memref<128x32xf32, #tpu.memory_space<vmem>>
      %dma_start3A_170 = arith.constant 0 : i32
      %dma_start3A_171 = tpu.memref_slice %arg6[%dma_start3A_164, %dma_start3A_170] : memref<10x128xi32, #tpu.memory_space<vmem>> -> memref<1x128xi32, #tpu.memory_space<vmem>>
      %dma_start3A_172 = tpu.memref_squeeze %dma_start3A_171 : memref<1x128xi32, #tpu.memory_space<vmem>> -> memref<128xi32, #tpu.memory_space<vmem>>
      %dma_start3A_173 = arith.constant 0 : i32
      %dma_start3A_174 = arith.constant 0 : i32
      %dma_start3A_175 = tpu.memref_slice %arg3[%dma_start3A_173, %dma_start3A_174] : memref<1000000x32xf32, #tpu.memory_space<hbm>> -> memref<1000000x32xf32, #tpu.memory_space<hbm>>
      tpu.enqueue_indirect_dma source(%dma_start3A_175 : memref<1000000x32xf32, #tpu.memory_space<hbm>>) target(%dma_start3A_169 : memref<128x32xf32, #tpu.memory_space<vmem>>) offsets(%dma_start3A_172 : memref<128xi32, #tpu.memory_space<vmem>>) semaphore(%arg10 : memref<!tpu.dma_semaphore, #tpu.memory_space<semaphore_mem>>)
      %dma_start3A_176 = arith.constant 2 : i32
      %dma_start3A_177 = arith.constant 2 : i32
      %dma_start3A_178 = arith.constant 0 : i32
      %dma_start3A_179 = arith.constant 0 : i32
      %dma_start3A_180 = tpu.memref_slice %arg8[%dma_start3A_177, %dma_start3A_178, %dma_start3A_179] : memref<10x128x32xf32, #tpu.memory_space<vmem>> -> memref<1x128x32xf32, #tpu.memory_space<vmem>>
      %dma_start3A_181 = tpu.memref_squeeze %dma_start3A_180 : memref<1x128x32xf32, #tpu.memory_space<vmem>> -> memref<128x32xf32, #tpu.memory_space<vmem>>
      %dma_start3A_182 = arith.constant 0 : i32
      %dma_start3A_183 = tpu.memref_slice %arg6[%dma_start3A_176, %dma_start3A_182] : memref<10x128xi32, #tpu.memory_space<vmem>> -> memref<1x128xi32, #tpu.memory_space<vmem>>
      %dma_start3A_184 = tpu.memref_squeeze %dma_start3A_183 : memref<1x128xi32, #tpu.memory_space<vmem>> -> memref<128xi32, #tpu.memory_space<vmem>>
      %dma_start3A_185 = arith.constant 0 : i32
      %dma_start3A_186 = arith.constant 0 : i32
      %dma_start3A_187 = tpu.memref_slice %arg3[%dma_start3A_185, %dma_start3A_186] : memref<1000000x32xf32, #tpu.memory_space<hbm>> -> memref<1000000x32xf32, #tpu.memory_space<hbm>>
      tpu.enqueue_indirect_dma source(%dma_start3A_187 : memref<1000000x32xf32, #tpu.memory_space<hbm>>) target(%dma_start3A_181 : memref<128x32xf32, #tpu.memory_space<vmem>>) offsets(%dma_start3A_184 : memref<128xi32, #tpu.memory_space<vmem>>) semaphore(%arg10 : memref<!tpu.dma_semaphore, #tpu.memory_space<semaphore_mem>>)
      %dma_start3A_188 = arith.constant 3 : i32
      %dma_start3A_189 = arith.constant 3 : i32
      %dma_start3A_190 = arith.constant 0 : i32
      %dma_start3A_191 = arith.constant 0 : i32
      %dma_start3A_192 = tpu.memref_slice %arg8[%dma_start3A_189, %dma_start3A_190, %dma_start3A_191] : memref<10x128x32xf32, #tpu.memory_space<vmem>> -> memref<1x128x32xf32, #tpu.memory_space<vmem>>
      %dma_start3A_193 = tpu.memref_squeeze %dma_start3A_192 : memref<1x128x32xf32, #tpu.memory_space<vmem>> -> memref<128x32xf32, #tpu.memory_space<vmem>>
      %dma_start3A_194 = arith.constant 0 : i32
      %dma_start3A_195 = tpu.memref_slice %arg6[%dma_start3A_188, %dma_start3A_194] : memref<10x128xi32, #tpu.memory_space<vmem>> -> memref<1x128xi32, #tpu.memory_space<vmem>>
      %dma_start3A_196 = tpu.memref_squeeze %dma_start3A_195 : memref<1x128xi32, #tpu.memory_space<vmem>> -> memref<128xi32, #tpu.memory_space<vmem>>
      %dma_start3A_197 = arith.constant 0 : i32
      %dma_start3A_198 = arith.constant 0 : i32
      %dma_start3A_199 = tpu.memref_slice %arg3[%dma_start3A_197, %dma_start3A_198] : memref<1000000x32xf32, #tpu.memory_space<hbm>> -> memref<1000000x32xf32, #tpu.memory_space<hbm>>
      tpu.enqueue_indirect_dma source(%dma_start3A_199 : memref<1000000x32xf32, #tpu.memory_space<hbm>>) target(%dma_start3A_193 : memref<128x32xf32, #tpu.memory_space<vmem>>) offsets(%dma_start3A_196 : memref<128xi32, #tpu.memory_space<vmem>>) semaphore(%arg10 : memref<!tpu.dma_semaphore, #tpu.memory_space<semaphore_mem>>)
      %dma_start3A_200 = arith.constant 4 : i32
      %dma_start3A_201 = arith.constant 4 : i32
      %dma_start3A_202 = arith.constant 0 : i32
      %dma_start3A_203 = arith.constant 0 : i32
      %dma_start3A_204 = tpu.memref_slice %arg8[%dma_start3A_201, %dma_start3A_202, %dma_start3A_203] : memref<10x128x32xf32, #tpu.memory_space<vmem>> -> memref<1x128x32xf32, #tpu.memory_space<vmem>>
      %dma_start3A_205 = tpu.memref_squeeze %dma_start3A_204 : memref<1x128x32xf32, #tpu.memory_space<vmem>> -> memref<128x32xf32, #tpu.memory_space<vmem>>
      %dma_start3A_206 = arith.constant 0 : i32
      %dma_start3A_207 = tpu.memref_slice %arg6[%dma_start3A_200, %dma_start3A_206] : memref<10x128xi32, #tpu.memory_space<vmem>> -> memref<1x128xi32, #tpu.memory_space<vmem>>
      %dma_start3A_208 = tpu.memref_squeeze %dma_start3A_207 : memref<1x128xi32, #tpu.memory_space<vmem>> -> memref<128xi32, #tpu.memory_space<vmem>>
      %dma_start3A_209 = arith.constant 0 : i32
      %dma_start3A_210 = arith.constant 0 : i32
      %dma_start3A_211 = tpu.memref_slice %arg3[%dma_start3A_209, %dma_start3A_210] : memref<1000000x32xf32, #tpu.memory_space<hbm>> -> memref<1000000x32xf32, #tpu.memory_space<hbm>>
      tpu.enqueue_indirect_dma source(%dma_start3A_211 : memref<1000000x32xf32, #tpu.memory_space<hbm>>) target(%dma_start3A_205 : memref<128x32xf32, #tpu.memory_space<vmem>>) offsets(%dma_start3A_208 : memref<128xi32, #tpu.memory_space<vmem>>) semaphore(%arg10 : memref<!tpu.dma_semaphore, #tpu.memory_space<semaphore_mem>>)
      %dma_start3A_212 = arith.constant 5 : i32
      %dma_start3A_213 = arith.constant 5 : i32
      %dma_start3A_214 = arith.constant 0 : i32
      %dma_start3A_215 = arith.constant 0 : i32
      %dma_start3A_216 = tpu.memref_slice %arg8[%dma_start3A_213, %dma_start3A_214, %dma_start3A_215] : memref<10x128x32xf32, #tpu.memory_space<vmem>> -> memref<1x128x32xf32, #tpu.memory_space<vmem>>
      %dma_start3A_217 = tpu.memref_squeeze %dma_start3A_216 : memref<1x128x32xf32, #tpu.memory_space<vmem>> -> memref<128x32xf32, #tpu.memory_space<vmem>>
      %dma_start3A_218 = arith.constant 0 : i32
      %dma_start3A_219 = tpu.memref_slice %arg6[%dma_start3A_212, %dma_start3A_218] : memref<10x128xi32, #tpu.memory_space<vmem>> -> memref<1x128xi32, #tpu.memory_space<vmem>>
      %dma_start3A_220 = tpu.memref_squeeze %dma_start3A_219 : memref<1x128xi32, #tpu.memory_space<vmem>> -> memref<128xi32, #tpu.memory_space<vmem>>
      %dma_start3A_221 = arith.constant 0 : i32
      %dma_start3A_222 = arith.constant 0 : i32
      %dma_start3A_223 = tpu.memref_slice %arg3[%dma_start3A_221, %dma_start3A_222] : memref<1000000x32xf32, #tpu.memory_space<hbm>> -> memref<1000000x32xf32, #tpu.memory_space<hbm>>
      tpu.enqueue_indirect_dma source(%dma_start3A_223 : memref<1000000x32xf32, #tpu.memory_space<hbm>>) target(%dma_start3A_217 : memref<128x32xf32, #tpu.memory_space<vmem>>) offsets(%dma_start3A_220 : memref<128xi32, #tpu.memory_space<vmem>>) semaphore(%arg10 : memref<!tpu.dma_semaphore, #tpu.memory_space<semaphore_mem>>)
      %dma_start3A_224 = arith.constant 6 : i32
      %dma_start3A_225 = arith.constant 6 : i32
      %dma_start3A_226 = arith.constant 0 : i32
      %dma_start3A_227 = arith.constant 0 : i32
      %dma_start3A_228 = tpu.memref_slice %arg8[%dma_start3A_225, %dma_start3A_226, %dma_start3A_227] : memref<10x128x32xf32, #tpu.memory_space<vmem>> -> memref<1x128x32xf32, #tpu.memory_space<vmem>>
      %dma_start3A_229 = tpu.memref_squeeze %dma_start3A_228 : memref<1x128x32xf32, #tpu.memory_space<vmem>> -> memref<128x32xf32, #tpu.memory_space<vmem>>
      %dma_start3A_230 = arith.constant 0 : i32
      %dma_start3A_231 = tpu.memref_slice %arg6[%dma_start3A_224, %dma_start3A_230] : memref<10x128xi32, #tpu.memory_space<vmem>> -> memref<1x128xi32, #tpu.memory_space<vmem>>
      %dma_start3A_232 = tpu.memref_squeeze %dma_start3A_231 : memref<1x128xi32, #tpu.memory_space<vmem>> -> memref<128xi32, #tpu.memory_space<vmem>>
      %dma_start3A_233 = arith.constant 0 : i32
      %dma_start3A_234 = arith.constant 0 : i32
      %dma_start3A_235 = tpu.memref_slice %arg3[%dma_start3A_233, %dma_start3A_234] : memref<1000000x32xf32, #tpu.memory_space<hbm>> -> memref<1000000x32xf32, #tpu.memory_space<hbm>>
      tpu.enqueue_indirect_dma source(%dma_start3A_235 : memref<1000000x32xf32, #tpu.memory_space<hbm>>) target(%dma_start3A_229 : memref<128x32xf32, #tpu.memory_space<vmem>>) offsets(%dma_start3A_232 : memref<128xi32, #tpu.memory_space<vmem>>) semaphore(%arg10 : memref<!tpu.dma_semaphore, #tpu.memory_space<semaphore_mem>>)
      %dma_start3A_236 = arith.constant 7 : i32
      %dma_start3A_237 = arith.constant 7 : i32
      %dma_start3A_238 = arith.constant 0 : i32
      %dma_start3A_239 = arith.constant 0 : i32
      %dma_start3A_240 = tpu.memref_slice %arg8[%dma_start3A_237, %dma_start3A_238, %dma_start3A_239] : memref<10x128x32xf32, #tpu.memory_space<vmem>> -> memref<1x128x32xf32, #tpu.memory_space<vmem>>
      %dma_start3A_241 = tpu.memref_squeeze %dma_start3A_240 : memref<1x128x32xf32, #tpu.memory_space<vmem>> -> memref<128x32xf32, #tpu.memory_space<vmem>>
      %dma_start3A_242 = arith.constant 0 : i32
      %dma_start3A_243 = tpu.memref_slice %arg6[%dma_start3A_236, %dma_start3A_242] : memref<10x128xi32, #tpu.memory_space<vmem>> -> memref<1x128xi32, #tpu.memory_space<vmem>>
      %dma_start3A_244 = tpu.memref_squeeze %dma_start3A_243 : memref<1x128xi32, #tpu.memory_space<vmem>> -> memref<128xi32, #tpu.memory_space<vmem>>
      %dma_start3A_245 = arith.constant 0 : i32
      %dma_start3A_246 = arith.constant 0 : i32
      %dma_start3A_247 = tpu.memref_slice %arg3[%dma_start3A_245, %dma_start3A_246] : memref<1000000x32xf32, #tpu.memory_space<hbm>> -> memref<1000000x32xf32, #tpu.memory_space<hbm>>
      tpu.enqueue_indirect_dma source(%dma_start3A_247 : memref<1000000x32xf32, #tpu.memory_space<hbm>>) target(%dma_start3A_241 : memref<128x32xf32, #tpu.memory_space<vmem>>) offsets(%dma_start3A_244 : memref<128xi32, #tpu.memory_space<vmem>>) semaphore(%arg10 : memref<!tpu.dma_semaphore, #tpu.memory_space<semaphore_mem>>)
      %dma_start3A_248 = arith.constant 8 : i32
      %dma_start3A_249 = arith.constant 8 : i32
      %dma_start3A_250 = arith.constant 0 : i32
      %dma_start3A_251 = arith.constant 0 : i32
      %dma_start3A_252 = tpu.memref_slice %arg8[%dma_start3A_249, %dma_start3A_250, %dma_start3A_251] : memref<10x128x32xf32, #tpu.memory_space<vmem>> -> memref<1x128x32xf32, #tpu.memory_space<vmem>>
      %dma_start3A_253 = tpu.memref_squeeze %dma_start3A_252 : memref<1x128x32xf32, #tpu.memory_space<vmem>> -> memref<128x32xf32, #tpu.memory_space<vmem>>
      %dma_start3A_254 = arith.constant 0 : i32
      %dma_start3A_255 = tpu.memref_slice %arg6[%dma_start3A_248, %dma_start3A_254] : memref<10x128xi32, #tpu.memory_space<vmem>> -> memref<1x128xi32, #tpu.memory_space<vmem>>
      %dma_start3A_256 = tpu.memref_squeeze %dma_start3A_255 : memref<1x128xi32, #tpu.memory_space<vmem>> -> memref<128xi32, #tpu.memory_space<vmem>>
      %dma_start3A_257 = arith.constant 0 : i32
      %dma_start3A_258 = arith.constant 0 : i32
      %dma_start3A_259 = tpu.memref_slice %arg3[%dma_start3A_257, %dma_start3A_258] : memref<1000000x32xf32, #tpu.memory_space<hbm>> -> memref<1000000x32xf32, #tpu.memory_space<hbm>>
      tpu.enqueue_indirect_dma source(%dma_start3A_259 : memref<1000000x32xf32, #tpu.memory_space<hbm>>) target(%dma_start3A_253 : memref<128x32xf32, #tpu.memory_space<vmem>>) offsets(%dma_start3A_256 : memref<128xi32, #tpu.memory_space<vmem>>) semaphore(%arg10 : memref<!tpu.dma_semaphore, #tpu.memory_space<semaphore_mem>>)
      %dma_start3A_260 = arith.constant 9 : i32
      %dma_start3A_261 = arith.constant 9 : i32
      %dma_start3A_262 = arith.constant 0 : i32
      %dma_start3A_263 = arith.constant 0 : i32
      %dma_start3A_264 = tpu.memref_slice %arg8[%dma_start3A_261, %dma_start3A_262, %dma_start3A_263] : memref<10x128x32xf32, #tpu.memory_space<vmem>> -> memref<1x128x32xf32, #tpu.memory_space<vmem>>
      %dma_start3A_265 = tpu.memref_squeeze %dma_start3A_264 : memref<1x128x32xf32, #tpu.memory_space<vmem>> -> memref<128x32xf32, #tpu.memory_space<vmem>>
      %dma_start3A_266 = arith.constant 0 : i32
      %dma_start3A_267 = tpu.memref_slice %arg6[%dma_start3A_260, %dma_start3A_266] : memref<10x128xi32, #tpu.memory_space<vmem>> -> memref<1x128xi32, #tpu.memory_space<vmem>>
      %dma_start3A_268 = tpu.memref_squeeze %dma_start3A_267 : memref<1x128xi32, #tpu.memory_space<vmem>> -> memref<128xi32, #tpu.memory_space<vmem>>
      %dma_start3A_269 = arith.constant 0 : i32
      %dma_start3A_270 = arith.constant 0 : i32
      %dma_start3A_271 = tpu.memref_slice %arg3[%dma_start3A_269, %dma_start3A_270] : memref<1000000x32xf32, #tpu.memory_space<hbm>> -> memref<1000000x32xf32, #tpu.memory_space<hbm>>
      tpu.enqueue_indirect_dma source(%dma_start3A_271 : memref<1000000x32xf32, #tpu.memory_space<hbm>>) target(%dma_start3A_265 : memref<128x32xf32, #tpu.memory_space<vmem>>) offsets(%dma_start3A_268 : memref<128xi32, #tpu.memory_space<vmem>>) semaphore(%arg10 : memref<!tpu.dma_semaphore, #tpu.memory_space<semaphore_mem>>)
      %dma_wait3A_272 = arith.constant 0 : i32
      %dma_wait3A_273 = arith.constant 0 : i32
      %dma_wait3A_274 = arith.constant 0 : i32
      %dma_wait3A_275 = arith.constant 0 : i32
      %dma_wait3A_276 = tpu.memref_slice %arg7[%dma_wait3A_273, %dma_wait3A_274, %dma_wait3A_275] : memref<10x128x32xf32, #tpu.memory_space<vmem>> -> memref<1x128x32xf32, #tpu.memory_space<vmem>>
      %dma_wait3A_277 = tpu.memref_squeeze %dma_wait3A_276 : memref<1x128x32xf32, #tpu.memory_space<vmem>> -> memref<128x32xf32, #tpu.memory_space<vmem>>
      %dma_wait3A_278 = arith.constant 0 : i32
      %dma_wait3A_279 = tpu.memref_slice %arg5[%dma_wait3A_272, %dma_wait3A_278] : memref<10x128xi32, #tpu.memory_space<vmem>> -> memref<1x128xi32, #tpu.memory_space<vmem>>
      %dma_wait3A_280 = tpu.memref_squeeze %dma_wait3A_279 : memref<1x128xi32, #tpu.memory_space<vmem>> -> memref<128xi32, #tpu.memory_space<vmem>>
      %dma_wait3A_281 = arith.constant 0 : i32
      %dma_wait3A_282 = arith.constant 0 : i32
      %dma_wait3A_283 = tpu.memref_slice %arg3[%dma_wait3A_281, %dma_wait3A_282] : memref<1000000x32xf32, #tpu.memory_space<hbm>> -> memref<1000000x32xf32, #tpu.memory_space<hbm>>
      tpu.wait_indirect_dma semaphore(%arg9 : memref<!tpu.dma_semaphore, #tpu.memory_space<semaphore_mem>>) src(%dma_wait3A_283 : memref<1000000x32xf32, #tpu.memory_space<hbm>>) dst(%dma_wait3A_277 : memref<128x32xf32, #tpu.memory_space<vmem>>)
      %dma_wait3A_284 = arith.constant 1 : i32
      %dma_wait3A_285 = arith.constant 1 : i32
      %dma_wait3A_286 = arith.constant 0 : i32
      %dma_wait3A_287 = arith.constant 0 : i32
      %dma_wait3A_288 = tpu.memref_slice %arg7[%dma_wait3A_285, %dma_wait3A_286, %dma_wait3A_287] : memref<10x128x32xf32, #tpu.memory_space<vmem>> -> memref<1x128x32xf32, #tpu.memory_space<vmem>>
      %dma_wait3A_289 = tpu.memref_squeeze %dma_wait3A_288 : memref<1x128x32xf32, #tpu.memory_space<vmem>> -> memref<128x32xf32, #tpu.memory_space<vmem>>
      %dma_wait3A_290 = arith.constant 0 : i32
      %dma_wait3A_291 = tpu.memref_slice %arg5[%dma_wait3A_284, %dma_wait3A_290] : memref<10x128xi32, #tpu.memory_space<vmem>> -> memref<1x128xi32, #tpu.memory_space<vmem>>
      %dma_wait3A_292 = tpu.memref_squeeze %dma_wait3A_291 : memref<1x128xi32, #tpu.memory_space<vmem>> -> memref<128xi32, #tpu.memory_space<vmem>>
      %dma_wait3A_293 = arith.constant 0 : i32
      %dma_wait3A_294 = arith.constant 0 : i32
      %dma_wait3A_295 = tpu.memref_slice %arg3[%dma_wait3A_293, %dma_wait3A_294] : memref<1000000x32xf32, #tpu.memory_space<hbm>> -> memref<1000000x32xf32, #tpu.memory_space<hbm>>
      tpu.wait_indirect_dma semaphore(%arg9 : memref<!tpu.dma_semaphore, #tpu.memory_space<semaphore_mem>>) src(%dma_wait3A_295 : memref<1000000x32xf32, #tpu.memory_space<hbm>>) dst(%dma_wait3A_289 : memref<128x32xf32, #tpu.memory_space<vmem>>)
      %dma_wait3A_296 = arith.constant 2 : i32
      %dma_wait3A_297 = arith.constant 2 : i32
      %dma_wait3A_298 = arith.constant 0 : i32
      %dma_wait3A_299 = arith.constant 0 : i32
      %dma_wait3A_300 = tpu.memref_slice %arg7[%dma_wait3A_297, %dma_wait3A_298, %dma_wait3A_299] : memref<10x128x32xf32, #tpu.memory_space<vmem>> -> memref<1x128x32xf32, #tpu.memory_space<vmem>>
      %dma_wait3A_301 = tpu.memref_squeeze %dma_wait3A_300 : memref<1x128x32xf32, #tpu.memory_space<vmem>> -> memref<128x32xf32, #tpu.memory_space<vmem>>
      %dma_wait3A_302 = arith.constant 0 : i32
      %dma_wait3A_303 = tpu.memref_slice %arg5[%dma_wait3A_296, %dma_wait3A_302] : memref<10x128xi32, #tpu.memory_space<vmem>> -> memref<1x128xi32, #tpu.memory_space<vmem>>
      %dma_wait3A_304 = tpu.memref_squeeze %dma_wait3A_303 : memref<1x128xi32, #tpu.memory_space<vmem>> -> memref<128xi32, #tpu.memory_space<vmem>>
      %dma_wait3A_305 = arith.constant 0 : i32
      %dma_wait3A_306 = arith.constant 0 : i32
      %dma_wait3A_307 = tpu.memref_slice %arg3[%dma_wait3A_305, %dma_wait3A_306] : memref<1000000x32xf32, #tpu.memory_space<hbm>> -> memref<1000000x32xf32, #tpu.memory_space<hbm>>
      tpu.wait_indirect_dma semaphore(%arg9 : memref<!tpu.dma_semaphore, #tpu.memory_space<semaphore_mem>>) src(%dma_wait3A_307 : memref<1000000x32xf32, #tpu.memory_space<hbm>>) dst(%dma_wait3A_301 : memref<128x32xf32, #tpu.memory_space<vmem>>)
      %dma_wait3A_308 = arith.constant 3 : i32
      %dma_wait3A_309 = arith.constant 3 : i32
      %dma_wait3A_310 = arith.constant 0 : i32
      %dma_wait3A_311 = arith.constant 0 : i32
      %dma_wait3A_312 = tpu.memref_slice %arg7[%dma_wait3A_309, %dma_wait3A_310, %dma_wait3A_311] : memref<10x128x32xf32, #tpu.memory_space<vmem>> -> memref<1x128x32xf32, #tpu.memory_space<vmem>>
      %dma_wait3A_313 = tpu.memref_squeeze %dma_wait3A_312 : memref<1x128x32xf32, #tpu.memory_space<vmem>> -> memref<128x32xf32, #tpu.memory_space<vmem>>
      %dma_wait3A_314 = arith.constant 0 : i32
      %dma_wait3A_315 = tpu.memref_slice %arg5[%dma_wait3A_308, %dma_wait3A_314] : memref<10x128xi32, #tpu.memory_space<vmem>> -> memref<1x128xi32, #tpu.memory_space<vmem>>
      %dma_wait3A_316 = tpu.memref_squeeze %dma_wait3A_315 : memref<1x128xi32, #tpu.memory_space<vmem>> -> memref<128xi32, #tpu.memory_space<vmem>>
      %dma_wait3A_317 = arith.constant 0 : i32
      %dma_wait3A_318 = arith.constant 0 : i32
      %dma_wait3A_319 = tpu.memref_slice %arg3[%dma_wait3A_317, %dma_wait3A_318] : memref<1000000x32xf32, #tpu.memory_space<hbm>> -> memref<1000000x32xf32, #tpu.memory_space<hbm>>
      tpu.wait_indirect_dma semaphore(%arg9 : memref<!tpu.dma_semaphore, #tpu.memory_space<semaphore_mem>>) src(%dma_wait3A_319 : memref<1000000x32xf32, #tpu.memory_space<hbm>>) dst(%dma_wait3A_313 : memref<128x32xf32, #tpu.memory_space<vmem>>)
      %dma_wait3A_320 = arith.constant 4 : i32
      %dma_wait3A_321 = arith.constant 4 : i32
      %dma_wait3A_322 = arith.constant 0 : i32
      %dma_wait3A_323 = arith.constant 0 : i32
      %dma_wait3A_324 = tpu.memref_slice %arg7[%dma_wait3A_321, %dma_wait3A_322, %dma_wait3A_323] : memref<10x128x32xf32, #tpu.memory_space<vmem>> -> memref<1x128x32xf32, #tpu.memory_space<vmem>>
      %dma_wait3A_325 = tpu.memref_squeeze %dma_wait3A_324 : memref<1x128x32xf32, #tpu.memory_space<vmem>> -> memref<128x32xf32, #tpu.memory_space<vmem>>
      %dma_wait3A_326 = arith.constant 0 : i32
      %dma_wait3A_327 = tpu.memref_slice %arg5[%dma_wait3A_320, %dma_wait3A_326] : memref<10x128xi32, #tpu.memory_space<vmem>> -> memref<1x128xi32, #tpu.memory_space<vmem>>
      %dma_wait3A_328 = tpu.memref_squeeze %dma_wait3A_327 : memref<1x128xi32, #tpu.memory_space<vmem>> -> memref<128xi32, #tpu.memory_space<vmem>>
      %dma_wait3A_329 = arith.constant 0 : i32
      %dma_wait3A_330 = arith.constant 0 : i32
      %dma_wait3A_331 = tpu.memref_slice %arg3[%dma_wait3A_329, %dma_wait3A_330] : memref<1000000x32xf32, #tpu.memory_space<hbm>> -> memref<1000000x32xf32, #tpu.memory_space<hbm>>
      tpu.wait_indirect_dma semaphore(%arg9 : memref<!tpu.dma_semaphore, #tpu.memory_space<semaphore_mem>>) src(%dma_wait3A_331 : memref<1000000x32xf32, #tpu.memory_space<hbm>>) dst(%dma_wait3A_325 : memref<128x32xf32, #tpu.memory_space<vmem>>)
      %dma_wait3A_332 = arith.constant 5 : i32
      %dma_wait3A_333 = arith.constant 5 : i32
      %dma_wait3A_334 = arith.constant 0 : i32
      %dma_wait3A_335 = arith.constant 0 : i32
      %dma_wait3A_336 = tpu.memref_slice %arg7[%dma_wait3A_333, %dma_wait3A_334, %dma_wait3A_335] : memref<10x128x32xf32, #tpu.memory_space<vmem>> -> memref<1x128x32xf32, #tpu.memory_space<vmem>>
      %dma_wait3A_337 = tpu.memref_squeeze %dma_wait3A_336 : memref<1x128x32xf32, #tpu.memory_space<vmem>> -> memref<128x32xf32, #tpu.memory_space<vmem>>
      %dma_wait3A_338 = arith.constant 0 : i32
      %dma_wait3A_339 = tpu.memref_slice %arg5[%dma_wait3A_332, %dma_wait3A_338] : memref<10x128xi32, #tpu.memory_space<vmem>> -> memref<1x128xi32, #tpu.memory_space<vmem>>
      %dma_wait3A_340 = tpu.memref_squeeze %dma_wait3A_339 : memref<1x128xi32, #tpu.memory_space<vmem>> -> memref<128xi32, #tpu.memory_space<vmem>>
      %dma_wait3A_341 = arith.constant 0 : i32
      %dma_wait3A_342 = arith.constant 0 : i32
      %dma_wait3A_343 = tpu.memref_slice %arg3[%dma_wait3A_341, %dma_wait3A_342] : memref<1000000x32xf32, #tpu.memory_space<hbm>> -> memref<1000000x32xf32, #tpu.memory_space<hbm>>
      tpu.wait_indirect_dma semaphore(%arg9 : memref<!tpu.dma_semaphore, #tpu.memory_space<semaphore_mem>>) src(%dma_wait3A_343 : memref<1000000x32xf32, #tpu.memory_space<hbm>>) dst(%dma_wait3A_337 : memref<128x32xf32, #tpu.memory_space<vmem>>)
      %dma_wait3A_344 = arith.constant 6 : i32
      %dma_wait3A_345 = arith.constant 6 : i32
      %dma_wait3A_346 = arith.constant 0 : i32
      %dma_wait3A_347 = arith.constant 0 : i32
      %dma_wait3A_348 = tpu.memref_slice %arg7[%dma_wait3A_345, %dma_wait3A_346, %dma_wait3A_347] : memref<10x128x32xf32, #tpu.memory_space<vmem>> -> memref<1x128x32xf32, #tpu.memory_space<vmem>>
      %dma_wait3A_349 = tpu.memref_squeeze %dma_wait3A_348 : memref<1x128x32xf32, #tpu.memory_space<vmem>> -> memref<128x32xf32, #tpu.memory_space<vmem>>
      %dma_wait3A_350 = arith.constant 0 : i32
      %dma_wait3A_351 = tpu.memref_slice %arg5[%dma_wait3A_344, %dma_wait3A_350] : memref<10x128xi32, #tpu.memory_space<vmem>> -> memref<1x128xi32, #tpu.memory_space<vmem>>
      %dma_wait3A_352 = tpu.memref_squeeze %dma_wait3A_351 : memref<1x128xi32, #tpu.memory_space<vmem>> -> memref<128xi32, #tpu.memory_space<vmem>>
      %dma_wait3A_353 = arith.constant 0 : i32
      %dma_wait3A_354 = arith.constant 0 : i32
      %dma_wait3A_355 = tpu.memref_slice %arg3[%dma_wait3A_353, %dma_wait3A_354] : memref<1000000x32xf32, #tpu.memory_space<hbm>> -> memref<1000000x32xf32, #tpu.memory_space<hbm>>
      tpu.wait_indirect_dma semaphore(%arg9 : memref<!tpu.dma_semaphore, #tpu.memory_space<semaphore_mem>>) src(%dma_wait3A_355 : memref<1000000x32xf32, #tpu.memory_space<hbm>>) dst(%dma_wait3A_349 : memref<128x32xf32, #tpu.memory_space<vmem>>)
      %dma_wait3A_356 = arith.constant 7 : i32
      %dma_wait3A_357 = arith.constant 7 : i32
      %dma_wait3A_358 = arith.constant 0 : i32
      %dma_wait3A_359 = arith.constant 0 : i32
      %dma_wait3A_360 = tpu.memref_slice %arg7[%dma_wait3A_357, %dma_wait3A_358, %dma_wait3A_359] : memref<10x128x32xf32, #tpu.memory_space<vmem>> -> memref<1x128x32xf32, #tpu.memory_space<vmem>>
      %dma_wait3A_361 = tpu.memref_squeeze %dma_wait3A_360 : memref<1x128x32xf32, #tpu.memory_space<vmem>> -> memref<128x32xf32, #tpu.memory_space<vmem>>
      %dma_wait3A_362 = arith.constant 0 : i32
      %dma_wait3A_363 = tpu.memref_slice %arg5[%dma_wait3A_356, %dma_wait3A_362] : memref<10x128xi32, #tpu.memory_space<vmem>> -> memref<1x128xi32, #tpu.memory_space<vmem>>
      %dma_wait3A_364 = tpu.memref_squeeze %dma_wait3A_363 : memref<1x128xi32, #tpu.memory_space<vmem>> -> memref<128xi32, #tpu.memory_space<vmem>>
      %dma_wait3A_365 = arith.constant 0 : i32
      %dma_wait3A_366 = arith.constant 0 : i32
      %dma_wait3A_367 = tpu.memref_slice %arg3[%dma_wait3A_365, %dma_wait3A_366] : memref<1000000x32xf32, #tpu.memory_space<hbm>> -> memref<1000000x32xf32, #tpu.memory_space<hbm>>
      tpu.wait_indirect_dma semaphore(%arg9 : memref<!tpu.dma_semaphore, #tpu.memory_space<semaphore_mem>>) src(%dma_wait3A_367 : memref<1000000x32xf32, #tpu.memory_space<hbm>>) dst(%dma_wait3A_361 : memref<128x32xf32, #tpu.memory_space<vmem>>)
      %dma_wait3A_368 = arith.constant 8 : i32
      %dma_wait3A_369 = arith.constant 8 : i32
      %dma_wait3A_370 = arith.constant 0 : i32
      %dma_wait3A_371 = arith.constant 0 : i32
      %dma_wait3A_372 = tpu.memref_slice %arg7[%dma_wait3A_369, %dma_wait3A_370, %dma_wait3A_371] : memref<10x128x32xf32, #tpu.memory_space<vmem>> -> memref<1x128x32xf32, #tpu.memory_space<vmem>>
      %dma_wait3A_373 = tpu.memref_squeeze %dma_wait3A_372 : memref<1x128x32xf32, #tpu.memory_space<vmem>> -> memref<128x32xf32, #tpu.memory_space<vmem>>
      %dma_wait3A_374 = arith.constant 0 : i32
      %dma_wait3A_375 = tpu.memref_slice %arg5[%dma_wait3A_368, %dma_wait3A_374] : memref<10x128xi32, #tpu.memory_space<vmem>> -> memref<1x128xi32, #tpu.memory_space<vmem>>
      %dma_wait3A_376 = tpu.memref_squeeze %dma_wait3A_375 : memref<1x128xi32, #tpu.memory_space<vmem>> -> memref<128xi32, #tpu.memory_space<vmem>>
      %dma_wait3A_377 = arith.constant 0 : i32
      %dma_wait3A_378 = arith.constant 0 : i32
      %dma_wait3A_379 = tpu.memref_slice %arg3[%dma_wait3A_377, %dma_wait3A_378] : memref<1000000x32xf32, #tpu.memory_space<hbm>> -> memref<1000000x32xf32, #tpu.memory_space<hbm>>
      tpu.wait_indirect_dma semaphore(%arg9 : memref<!tpu.dma_semaphore, #tpu.memory_space<semaphore_mem>>) src(%dma_wait3A_379 : memref<1000000x32xf32, #tpu.memory_space<hbm>>) dst(%dma_wait3A_373 : memref<128x32xf32, #tpu.memory_space<vmem>>)
      %dma_wait3A_380 = arith.constant 9 : i32
      %dma_wait3A_381 = arith.constant 9 : i32
      %dma_wait3A_382 = arith.constant 0 : i32
      %dma_wait3A_383 = arith.constant 0 : i32
      %dma_wait3A_384 = tpu.memref_slice %arg7[%dma_wait3A_381, %dma_wait3A_382, %dma_wait3A_383] : memref<10x128x32xf32, #tpu.memory_space<vmem>> -> memref<1x128x32xf32, #tpu.memory_space<vmem>>
      %dma_wait3A_385 = tpu.memref_squeeze %dma_wait3A_384 : memref<1x128x32xf32, #tpu.memory_space<vmem>> -> memref<128x32xf32, #tpu.memory_space<vmem>>
      %dma_wait3A_386 = arith.constant 0 : i32
      %dma_wait3A_387 = tpu.memref_slice %arg5[%dma_wait3A_380, %dma_wait3A_386] : memref<10x128xi32, #tpu.memory_space<vmem>> -> memref<1x128xi32, #tpu.memory_space<vmem>>
      %dma_wait3A_388 = tpu.memref_squeeze %dma_wait3A_387 : memref<1x128xi32, #tpu.memory_space<vmem>> -> memref<128xi32, #tpu.memory_space<vmem>>
      %dma_wait3A_389 = arith.constant 0 : i32
      %dma_wait3A_390 = arith.constant 0 : i32
      %dma_wait3A_391 = tpu.memref_slice %arg3[%dma_wait3A_389, %dma_wait3A_390] : memref<1000000x32xf32, #tpu.memory_space<hbm>> -> memref<1000000x32xf32, #tpu.memory_space<hbm>>
      tpu.wait_indirect_dma semaphore(%arg9 : memref<!tpu.dma_semaphore, #tpu.memory_space<semaphore_mem>>) src(%dma_wait3A_391 : memref<1000000x32xf32, #tpu.memory_space<hbm>>) dst(%dma_wait3A_385 : memref<128x32xf32, #tpu.memory_space<vmem>>)
      %dma_start3A_392 = arith.constant 0 : i32
      %dma_start3A_393 = arith.constant 0 : i32
      %dma_start3A_394 = tpu.memref_slice %arg4[%add3A_147, %dma_start3A_392, %dma_start3A_393] : memref<25600x128x32xf32, #tpu.memory_space<hbm>> -> memref<10x128x32xf32, #tpu.memory_space<hbm>>
      %dma_start3A_395 = arith.constant 0 : i32
      %dma_start3A_396 = arith.constant 0 : i32
      %dma_start3A_397 = tpu.memref_slice %arg4[%add3A_147, %dma_start3A_395, %dma_start3A_396] : memref<25600x128x32xf32, #tpu.memory_space<hbm>> -> memref<10x128x32xf32, #tpu.memory_space<hbm>>
      tpu.enqueue_dma source(%arg7 : memref<10x128x32xf32, #tpu.memory_space<vmem>>) target(%dma_start3A_397 : memref<10x128x32xf32, #tpu.memory_space<hbm>>) target_semaphore(%arg11 : memref<!tpu.dma_semaphore, #tpu.memory_space<semaphore_mem>>)
      %lt3A = arith.constant 39 : i32
      %lt3A_398 = arith.cmpi slt, %scan3A_142, %lt3A : i32
      %convert_element_type3A_399 = arith.extui %lt3A_398 : i1 to i32
      %cond3A_400 = arith.constant 0 : i32
      %cond3A_401 = arith.cmpi ne, %convert_element_type3A_399, %cond3A_400 : i32
      scf.if %cond3A_401 {
        %add3A_530 = arith.constant 20 : i32
        %add3A_531 = arith.addi %add3A_147, %add3A_530 : i32
        "tpu.region"() ({
          %run_scoped3A = tpu.sem_alloc : memref<!tpu.dma_semaphore, #tpu.memory_space<semaphore_mem>>
          %dma_start3A_660 = arith.constant 0 : i32
          %dma_start3A_661 = tpu.memref_slice %arg2[%add3A_531, %dma_start3A_660] : memref<25600x128xi32, #tpu.memory_space<hbm>> -> memref<10x128xi32, #tpu.memory_space<hbm>>
          %dma_start3A_662 = arith.constant 0 : i32
          %dma_start3A_663 = tpu.memref_slice %arg2[%add3A_531, %dma_start3A_662] : memref<25600x128xi32, #tpu.memory_space<hbm>> -> memref<10x128xi32, #tpu.memory_space<hbm>>
          tpu.enqueue_dma source(%dma_start3A_663 : memref<10x128xi32, #tpu.memory_space<hbm>>) target(%arg5 : memref<10x128xi32, #tpu.memory_space<vmem>>) target_semaphore(%run_scoped3A : memref<!tpu.dma_semaphore, #tpu.memory_space<semaphore_mem>>)
          %dma_wait3A_664 = arith.constant 0 : i32
          %dma_wait3A_665 = tpu.memref_slice %arg2[%add3A_531, %dma_wait3A_664] : memref<25600x128xi32, #tpu.memory_space<hbm>> -> memref<10x128xi32, #tpu.memory_space<hbm>>
          %dma_wait3A_666 = arith.constant 0 : i32
          %dma_wait3A_667 = tpu.memref_slice %arg2[%add3A_531, %dma_wait3A_666] : memref<25600x128xi32, #tpu.memory_space<hbm>> -> memref<10x128xi32, #tpu.memory_space<hbm>>
          tpu.wait_dma2 semaphore(%run_scoped3A : memref<!tpu.dma_semaphore, #tpu.memory_space<semaphore_mem>>) src(%dma_wait3A_667 : memref<10x128xi32, #tpu.memory_space<hbm>>) dst(%arg5 : memref<10x128xi32, #tpu.memory_space<vmem>>)
          tpu.yield
        }) : () -> ()
        %dma_wait3A_532 = arith.constant 0 : i32
        %dma_wait3A_533 = arith.constant 0 : i32
        %dma_wait3A_534 = arith.constant 0 : i32
        %dma_wait3A_535 = tpu.memref_slice %arg4[%dma_wait3A_532, %dma_wait3A_533, %dma_wait3A_534] : memref<25600x128x32xf32, #tpu.memory_space<hbm>> -> memref<10x128x32xf32, #tpu.memory_space<hbm>>
        %dma_wait3A_536 = arith.constant 0 : i32
        %dma_wait3A_537 = arith.constant 0 : i32
        %dma_wait3A_538 = arith.constant 0 : i32
        %dma_wait3A_539 = tpu.memref_slice %arg4[%dma_wait3A_536, %dma_wait3A_537, %dma_wait3A_538] : memref<25600x128x32xf32, #tpu.memory_space<hbm>> -> memref<10x128x32xf32, #tpu.memory_space<hbm>>
        tpu.wait_dma2 semaphore(%arg11 : memref<!tpu.dma_semaphore, #tpu.memory_space<semaphore_mem>>) src(%arg7 : memref<10x128x32xf32, #tpu.memory_space<vmem>>) dst(%dma_wait3A_539 : memref<10x128x32xf32, #tpu.memory_space<hbm>>)
        %dma_start3A_540 = arith.constant 0 : i32
        %dma_start3A_541 = arith.constant 0 : i32
        %dma_start3A_542 = arith.constant 0 : i32
        %dma_start3A_543 = arith.constant 0 : i32
        %dma_start3A_544 = tpu.memref_slice %arg7[%dma_start3A_541, %dma_start3A_542, %dma_start3A_543] : memref<10x128x32xf32, #tpu.memory_space<vmem>> -> memref<1x128x32xf32, #tpu.memory_space<vmem>>
        %dma_start3A_545 = tpu.memref_squeeze %dma_start3A_544 : memref<1x128x32xf32, #tpu.memory_space<vmem>> -> memref<128x32xf32, #tpu.memory_space<vmem>>
        %dma_start3A_546 = arith.constant 0 : i32
        %dma_start3A_547 = tpu.memref_slice %arg5[%dma_start3A_540, %dma_start3A_546] : memref<10x128xi32, #tpu.memory_space<vmem>> -> memref<1x128xi32, #tpu.memory_space<vmem>>
        %dma_start3A_548 = tpu.memref_squeeze %dma_start3A_547 : memref<1x128xi32, #tpu.memory_space<vmem>> -> memref<128xi32, #tpu.memory_space<vmem>>
        %dma_start3A_549 = arith.constant 0 : i32
        %dma_start3A_550 = arith.constant 0 : i32
        %dma_start3A_551 = tpu.memref_slice %arg3[%dma_start3A_549, %dma_start3A_550] : memref<1000000x32xf32, #tpu.memory_space<hbm>> -> memref<1000000x32xf32, #tpu.memory_space<hbm>>
        tpu.enqueue_indirect_dma source(%dma_start3A_551 : memref<1000000x32xf32, #tpu.memory_space<hbm>>) target(%dma_start3A_545 : memref<128x32xf32, #tpu.memory_space<vmem>>) offsets(%dma_start3A_548 : memref<128xi32, #tpu.memory_space<vmem>>) semaphore(%arg9 : memref<!tpu.dma_semaphore, #tpu.memory_space<semaphore_mem>>)
        %dma_start3A_552 = arith.constant 1 : i32
        %dma_start3A_553 = arith.constant 1 : i32
        %dma_start3A_554 = arith.constant 0 : i32
        %dma_start3A_555 = arith.constant 0 : i32
        %dma_start3A_556 = tpu.memref_slice %arg7[%dma_start3A_553, %dma_start3A_554, %dma_start3A_555] : memref<10x128x32xf32, #tpu.memory_space<vmem>> -> memref<1x128x32xf32, #tpu.memory_space<vmem>>
        %dma_start3A_557 = tpu.memref_squeeze %dma_start3A_556 : memref<1x128x32xf32, #tpu.memory_space<vmem>> -> memref<128x32xf32, #tpu.memory_space<vmem>>
        %dma_start3A_558 = arith.constant 0 : i32
        %dma_start3A_559 = tpu.memref_slice %arg5[%dma_start3A_552, %dma_start3A_558] : memref<10x128xi32, #tpu.memory_space<vmem>> -> memref<1x128xi32, #tpu.memory_space<vmem>>
        %dma_start3A_560 = tpu.memref_squeeze %dma_start3A_559 : memref<1x128xi32, #tpu.memory_space<vmem>> -> memref<128xi32, #tpu.memory_space<vmem>>
        %dma_start3A_561 = arith.constant 0 : i32
        %dma_start3A_562 = arith.constant 0 : i32
        %dma_start3A_563 = tpu.memref_slice %arg3[%dma_start3A_561, %dma_start3A_562] : memref<1000000x32xf32, #tpu.memory_space<hbm>> -> memref<1000000x32xf32, #tpu.memory_space<hbm>>
        tpu.enqueue_indirect_dma source(%dma_start3A_563 : memref<1000000x32xf32, #tpu.memory_space<hbm>>) target(%dma_start3A_557 : memref<128x32xf32, #tpu.memory_space<vmem>>) offsets(%dma_start3A_560 : memref<128xi32, #tpu.memory_space<vmem>>) semaphore(%arg9 : memref<!tpu.dma_semaphore, #tpu.memory_space<semaphore_mem>>)
        %dma_start3A_564 = arith.constant 2 : i32
        %dma_start3A_565 = arith.constant 2 : i32
        %dma_start3A_566 = arith.constant 0 : i32
        %dma_start3A_567 = arith.constant 0 : i32
        %dma_start3A_568 = tpu.memref_slice %arg7[%dma_start3A_565, %dma_start3A_566, %dma_start3A_567] : memref<10x128x32xf32, #tpu.memory_space<vmem>> -> memref<1x128x32xf32, #tpu.memory_space<vmem>>
        %dma_start3A_569 = tpu.memref_squeeze %dma_start3A_568 : memref<1x128x32xf32, #tpu.memory_space<vmem>> -> memref<128x32xf32, #tpu.memory_space<vmem>>
        %dma_start3A_570 = arith.constant 0 : i32
        %dma_start3A_571 = tpu.memref_slice %arg5[%dma_start3A_564, %dma_start3A_570] : memref<10x128xi32, #tpu.memory_space<vmem>> -> memref<1x128xi32, #tpu.memory_space<vmem>>
        %dma_start3A_572 = tpu.memref_squeeze %dma_start3A_571 : memref<1x128xi32, #tpu.memory_space<vmem>> -> memref<128xi32, #tpu.memory_space<vmem>>
        %dma_start3A_573 = arith.constant 0 : i32
        %dma_start3A_574 = arith.constant 0 : i32
        %dma_start3A_575 = tpu.memref_slice %arg3[%dma_start3A_573, %dma_start3A_574] : memref<1000000x32xf32, #tpu.memory_space<hbm>> -> memref<1000000x32xf32, #tpu.memory_space<hbm>>
        tpu.enqueue_indirect_dma source(%dma_start3A_575 : memref<1000000x32xf32, #tpu.memory_space<hbm>>) target(%dma_start3A_569 : memref<128x32xf32, #tpu.memory_space<vmem>>) offsets(%dma_start3A_572 : memref<128xi32, #tpu.memory_space<vmem>>) semaphore(%arg9 : memref<!tpu.dma_semaphore, #tpu.memory_space<semaphore_mem>>)
        %dma_start3A_576 = arith.constant 3 : i32
        %dma_start3A_577 = arith.constant 3 : i32
        %dma_start3A_578 = arith.constant 0 : i32
        %dma_start3A_579 = arith.constant 0 : i32
        %dma_start3A_580 = tpu.memref_slice %arg7[%dma_start3A_577, %dma_start3A_578, %dma_start3A_579] : memref<10x128x32xf32, #tpu.memory_space<vmem>> -> memref<1x128x32xf32, #tpu.memory_space<vmem>>
        %dma_start3A_581 = tpu.memref_squeeze %dma_start3A_580 : memref<1x128x32xf32, #tpu.memory_space<vmem>> -> memref<128x32xf32, #tpu.memory_space<vmem>>
        %dma_start3A_582 = arith.constant 0 : i32
        %dma_start3A_583 = tpu.memref_slice %arg5[%dma_start3A_576, %dma_start3A_582] : memref<10x128xi32, #tpu.memory_space<vmem>> -> memref<1x128xi32, #tpu.memory_space<vmem>>
        %dma_start3A_584 = tpu.memref_squeeze %dma_start3A_583 : memref<1x128xi32, #tpu.memory_space<vmem>> -> memref<128xi32, #tpu.memory_space<vmem>>
        %dma_start3A_585 = arith.constant 0 : i32
        %dma_start3A_586 = arith.constant 0 : i32
        %dma_start3A_587 = tpu.memref_slice %arg3[%dma_start3A_585, %dma_start3A_586] : memref<1000000x32xf32, #tpu.memory_space<hbm>> -> memref<1000000x32xf32, #tpu.memory_space<hbm>>
        tpu.enqueue_indirect_dma source(%dma_start3A_587 : memref<1000000x32xf32, #tpu.memory_space<hbm>>) target(%dma_start3A_581 : memref<128x32xf32, #tpu.memory_space<vmem>>) offsets(%dma_start3A_584 : memref<128xi32, #tpu.memory_space<vmem>>) semaphore(%arg9 : memref<!tpu.dma_semaphore, #tpu.memory_space<semaphore_mem>>)
        %dma_start3A_588 = arith.constant 4 : i32
        %dma_start3A_589 = arith.constant 4 : i32
        %dma_start3A_590 = arith.constant 0 : i32
        %dma_start3A_591 = arith.constant 0 : i32
        %dma_start3A_592 = tpu.memref_slice %arg7[%dma_start3A_589, %dma_start3A_590, %dma_start3A_591] : memref<10x128x32xf32, #tpu.memory_space<vmem>> -> memref<1x128x32xf32, #tpu.memory_space<vmem>>
        %dma_start3A_593 = tpu.memref_squeeze %dma_start3A_592 : memref<1x128x32xf32, #tpu.memory_space<vmem>> -> memref<128x32xf32, #tpu.memory_space<vmem>>
        %dma_start3A_594 = arith.constant 0 : i32
        %dma_start3A_595 = tpu.memref_slice %arg5[%dma_start3A_588, %dma_start3A_594] : memref<10x128xi32, #tpu.memory_space<vmem>> -> memref<1x128xi32, #tpu.memory_space<vmem>>
        %dma_start3A_596 = tpu.memref_squeeze %dma_start3A_595 : memref<1x128xi32, #tpu.memory_space<vmem>> -> memref<128xi32, #tpu.memory_space<vmem>>
        %dma_start3A_597 = arith.constant 0 : i32
        %dma_start3A_598 = arith.constant 0 : i32
        %dma_start3A_599 = tpu.memref_slice %arg3[%dma_start3A_597, %dma_start3A_598] : memref<1000000x32xf32, #tpu.memory_space<hbm>> -> memref<1000000x32xf32, #tpu.memory_space<hbm>>
        tpu.enqueue_indirect_dma source(%dma_start3A_599 : memref<1000000x32xf32, #tpu.memory_space<hbm>>) target(%dma_start3A_593 : memref<128x32xf32, #tpu.memory_space<vmem>>) offsets(%dma_start3A_596 : memref<128xi32, #tpu.memory_space<vmem>>) semaphore(%arg9 : memref<!tpu.dma_semaphore, #tpu.memory_space<semaphore_mem>>)
        %dma_start3A_600 = arith.constant 5 : i32
        %dma_start3A_601 = arith.constant 5 : i32
        %dma_start3A_602 = arith.constant 0 : i32
        %dma_start3A_603 = arith.constant 0 : i32
        %dma_start3A_604 = tpu.memref_slice %arg7[%dma_start3A_601, %dma_start3A_602, %dma_start3A_603] : memref<10x128x32xf32, #tpu.memory_space<vmem>> -> memref<1x128x32xf32, #tpu.memory_space<vmem>>
        %dma_start3A_605 = tpu.memref_squeeze %dma_start3A_604 : memref<1x128x32xf32, #tpu.memory_space<vmem>> -> memref<128x32xf32, #tpu.memory_space<vmem>>
        %dma_start3A_606 = arith.constant 0 : i32
        %dma_start3A_607 = tpu.memref_slice %arg5[%dma_start3A_600, %dma_start3A_606] : memref<10x128xi32, #tpu.memory_space<vmem>> -> memref<1x128xi32, #tpu.memory_space<vmem>>
        %dma_start3A_608 = tpu.memref_squeeze %dma_start3A_607 : memref<1x128xi32, #tpu.memory_space<vmem>> -> memref<128xi32, #tpu.memory_space<vmem>>
        %dma_start3A_609 = arith.constant 0 : i32
        %dma_start3A_610 = arith.constant 0 : i32
        %dma_start3A_611 = tpu.memref_slice %arg3[%dma_start3A_609, %dma_start3A_610] : memref<1000000x32xf32, #tpu.memory_space<hbm>> -> memref<1000000x32xf32, #tpu.memory_space<hbm>>
        tpu.enqueue_indirect_dma source(%dma_start3A_611 : memref<1000000x32xf32, #tpu.memory_space<hbm>>) target(%dma_start3A_605 : memref<128x32xf32, #tpu.memory_space<vmem>>) offsets(%dma_start3A_608 : memref<128xi32, #tpu.memory_space<vmem>>) semaphore(%arg9 : memref<!tpu.dma_semaphore, #tpu.memory_space<semaphore_mem>>)
        %dma_start3A_612 = arith.constant 6 : i32
        %dma_start3A_613 = arith.constant 6 : i32
        %dma_start3A_614 = arith.constant 0 : i32
        %dma_start3A_615 = arith.constant 0 : i32
        %dma_start3A_616 = tpu.memref_slice %arg7[%dma_start3A_613, %dma_start3A_614, %dma_start3A_615] : memref<10x128x32xf32, #tpu.memory_space<vmem>> -> memref<1x128x32xf32, #tpu.memory_space<vmem>>
        %dma_start3A_617 = tpu.memref_squeeze %dma_start3A_616 : memref<1x128x32xf32, #tpu.memory_space<vmem>> -> memref<128x32xf32, #tpu.memory_space<vmem>>
        %dma_start3A_618 = arith.constant 0 : i32
        %dma_start3A_619 = tpu.memref_slice %arg5[%dma_start3A_612, %dma_start3A_618] : memref<10x128xi32, #tpu.memory_space<vmem>> -> memref<1x128xi32, #tpu.memory_space<vmem>>
        %dma_start3A_620 = tpu.memref_squeeze %dma_start3A_619 : memref<1x128xi32, #tpu.memory_space<vmem>> -> memref<128xi32, #tpu.memory_space<vmem>>
        %dma_start3A_621 = arith.constant 0 : i32
        %dma_start3A_622 = arith.constant 0 : i32
        %dma_start3A_623 = tpu.memref_slice %arg3[%dma_start3A_621, %dma_start3A_622] : memref<1000000x32xf32, #tpu.memory_space<hbm>> -> memref<1000000x32xf32, #tpu.memory_space<hbm>>
        tpu.enqueue_indirect_dma source(%dma_start3A_623 : memref<1000000x32xf32, #tpu.memory_space<hbm>>) target(%dma_start3A_617 : memref<128x32xf32, #tpu.memory_space<vmem>>) offsets(%dma_start3A_620 : memref<128xi32, #tpu.memory_space<vmem>>) semaphore(%arg9 : memref<!tpu.dma_semaphore, #tpu.memory_space<semaphore_mem>>)
        %dma_start3A_624 = arith.constant 7 : i32
        %dma_start3A_625 = arith.constant 7 : i32
        %dma_start3A_626 = arith.constant 0 : i32
        %dma_start3A_627 = arith.constant 0 : i32
        %dma_start3A_628 = tpu.memref_slice %arg7[%dma_start3A_625, %dma_start3A_626, %dma_start3A_627] : memref<10x128x32xf32, #tpu.memory_space<vmem>> -> memref<1x128x32xf32, #tpu.memory_space<vmem>>
        %dma_start3A_629 = tpu.memref_squeeze %dma_start3A_628 : memref<1x128x32xf32, #tpu.memory_space<vmem>> -> memref<128x32xf32, #tpu.memory_space<vmem>>
        %dma_start3A_630 = arith.constant 0 : i32
        %dma_start3A_631 = tpu.memref_slice %arg5[%dma_start3A_624, %dma_start3A_630] : memref<10x128xi32, #tpu.memory_space<vmem>> -> memref<1x128xi32, #tpu.memory_space<vmem>>
        %dma_start3A_632 = tpu.memref_squeeze %dma_start3A_631 : memref<1x128xi32, #tpu.memory_space<vmem>> -> memref<128xi32, #tpu.memory_space<vmem>>
        %dma_start3A_633 = arith.constant 0 : i32
        %dma_start3A_634 = arith.constant 0 : i32
        %dma_start3A_635 = tpu.memref_slice %arg3[%dma_start3A_633, %dma_start3A_634] : memref<1000000x32xf32, #tpu.memory_space<hbm>> -> memref<1000000x32xf32, #tpu.memory_space<hbm>>
        tpu.enqueue_indirect_dma source(%dma_start3A_635 : memref<1000000x32xf32, #tpu.memory_space<hbm>>) target(%dma_start3A_629 : memref<128x32xf32, #tpu.memory_space<vmem>>) offsets(%dma_start3A_632 : memref<128xi32, #tpu.memory_space<vmem>>) semaphore(%arg9 : memref<!tpu.dma_semaphore, #tpu.memory_space<semaphore_mem>>)
        %dma_start3A_636 = arith.constant 8 : i32
        %dma_start3A_637 = arith.constant 8 : i32
        %dma_start3A_638 = arith.constant 0 : i32
        %dma_start3A_639 = arith.constant 0 : i32
        %dma_start3A_640 = tpu.memref_slice %arg7[%dma_start3A_637, %dma_start3A_638, %dma_start3A_639] : memref<10x128x32xf32, #tpu.memory_space<vmem>> -> memref<1x128x32xf32, #tpu.memory_space<vmem>>
        %dma_start3A_641 = tpu.memref_squeeze %dma_start3A_640 : memref<1x128x32xf32, #tpu.memory_space<vmem>> -> memref<128x32xf32, #tpu.memory_space<vmem>>
        %dma_start3A_642 = arith.constant 0 : i32
        %dma_start3A_643 = tpu.memref_slice %arg5[%dma_start3A_636, %dma_start3A_642] : memref<10x128xi32, #tpu.memory_space<vmem>> -> memref<1x128xi32, #tpu.memory_space<vmem>>
        %dma_start3A_644 = tpu.memref_squeeze %dma_start3A_643 : memref<1x128xi32, #tpu.memory_space<vmem>> -> memref<128xi32, #tpu.memory_space<vmem>>
        %dma_start3A_645 = arith.constant 0 : i32
        %dma_start3A_646 = arith.constant 0 : i32
        %dma_start3A_647 = tpu.memref_slice %arg3[%dma_start3A_645, %dma_start3A_646] : memref<1000000x32xf32, #tpu.memory_space<hbm>> -> memref<1000000x32xf32, #tpu.memory_space<hbm>>
        tpu.enqueue_indirect_dma source(%dma_start3A_647 : memref<1000000x32xf32, #tpu.memory_space<hbm>>) target(%dma_start3A_641 : memref<128x32xf32, #tpu.memory_space<vmem>>) offsets(%dma_start3A_644 : memref<128xi32, #tpu.memory_space<vmem>>) semaphore(%arg9 : memref<!tpu.dma_semaphore, #tpu.memory_space<semaphore_mem>>)
        %dma_start3A_648 = arith.constant 9 : i32
        %dma_start3A_649 = arith.constant 9 : i32
        %dma_start3A_650 = arith.constant 0 : i32
        %dma_start3A_651 = arith.constant 0 : i32
        %dma_start3A_652 = tpu.memref_slice %arg7[%dma_start3A_649, %dma_start3A_650, %dma_start3A_651] : memref<10x128x32xf32, #tpu.memory_space<vmem>> -> memref<1x128x32xf32, #tpu.memory_space<vmem>>
        %dma_start3A_653 = tpu.memref_squeeze %dma_start3A_652 : memref<1x128x32xf32, #tpu.memory_space<vmem>> -> memref<128x32xf32, #tpu.memory_space<vmem>>
        %dma_start3A_654 = arith.constant 0 : i32
        %dma_start3A_655 = tpu.memref_slice %arg5[%dma_start3A_648, %dma_start3A_654] : memref<10x128xi32, #tpu.memory_space<vmem>> -> memref<1x128xi32, #tpu.memory_space<vmem>>
        %dma_start3A_656 = tpu.memref_squeeze %dma_start3A_655 : memref<1x128xi32, #tpu.memory_space<vmem>> -> memref<128xi32, #tpu.memory_space<vmem>>
        %dma_start3A_657 = arith.constant 0 : i32
        %dma_start3A_658 = arith.constant 0 : i32
        %dma_start3A_659 = tpu.memref_slice %arg3[%dma_start3A_657, %dma_start3A_658] : memref<1000000x32xf32, #tpu.memory_space<hbm>> -> memref<1000000x32xf32, #tpu.memory_space<hbm>>
        tpu.enqueue_indirect_dma source(%dma_start3A_659 : memref<1000000x32xf32, #tpu.memory_space<hbm>>) target(%dma_start3A_653 : memref<128x32xf32, #tpu.memory_space<vmem>>) offsets(%dma_start3A_656 : memref<128xi32, #tpu.memory_space<vmem>>) semaphore(%arg9 : memref<!tpu.dma_semaphore, #tpu.memory_space<semaphore_mem>>)
      } else {
      }
      %dma_wait3A_402 = arith.constant 0 : i32
      %dma_wait3A_403 = arith.constant 0 : i32
      %dma_wait3A_404 = arith.constant 0 : i32
      %dma_wait3A_405 = arith.constant 0 : i32
      %dma_wait3A_406 = tpu.memref_slice %arg8[%dma_wait3A_403, %dma_wait3A_404, %dma_wait3A_405] : memref<10x128x32xf32, #tpu.memory_space<vmem>> -> memref<1x128x32xf32, #tpu.memory_space<vmem>>
      %dma_wait3A_407 = tpu.memref_squeeze %dma_wait3A_406 : memref<1x128x32xf32, #tpu.memory_space<vmem>> -> memref<128x32xf32, #tpu.memory_space<vmem>>
      %dma_wait3A_408 = arith.constant 0 : i32
      %dma_wait3A_409 = tpu.memref_slice %arg6[%dma_wait3A_402, %dma_wait3A_408] : memref<10x128xi32, #tpu.memory_space<vmem>> -> memref<1x128xi32, #tpu.memory_space<vmem>>
      %dma_wait3A_410 = tpu.memref_squeeze %dma_wait3A_409 : memref<1x128xi32, #tpu.memory_space<vmem>> -> memref<128xi32, #tpu.memory_space<vmem>>
      %dma_wait3A_411 = arith.constant 0 : i32
      %dma_wait3A_412 = arith.constant 0 : i32
      %dma_wait3A_413 = tpu.memref_slice %arg3[%dma_wait3A_411, %dma_wait3A_412] : memref<1000000x32xf32, #tpu.memory_space<hbm>> -> memref<1000000x32xf32, #tpu.memory_space<hbm>>
      tpu.wait_indirect_dma semaphore(%arg10 : memref<!tpu.dma_semaphore, #tpu.memory_space<semaphore_mem>>) src(%dma_wait3A_413 : memref<1000000x32xf32, #tpu.memory_space<hbm>>) dst(%dma_wait3A_407 : memref<128x32xf32, #tpu.memory_space<vmem>>)
      %dma_wait3A_414 = arith.constant 1 : i32
      %dma_wait3A_415 = arith.constant 1 : i32
      %dma_wait3A_416 = arith.constant 0 : i32
      %dma_wait3A_417 = arith.constant 0 : i32
      %dma_wait3A_418 = tpu.memref_slice %arg8[%dma_wait3A_415, %dma_wait3A_416, %dma_wait3A_417] : memref<10x128x32xf32, #tpu.memory_space<vmem>> -> memref<1x128x32xf32, #tpu.memory_space<vmem>>
      %dma_wait3A_419 = tpu.memref_squeeze %dma_wait3A_418 : memref<1x128x32xf32, #tpu.memory_space<vmem>> -> memref<128x32xf32, #tpu.memory_space<vmem>>
      %dma_wait3A_420 = arith.constant 0 : i32
      %dma_wait3A_421 = tpu.memref_slice %arg6[%dma_wait3A_414, %dma_wait3A_420] : memref<10x128xi32, #tpu.memory_space<vmem>> -> memref<1x128xi32, #tpu.memory_space<vmem>>
      %dma_wait3A_422 = tpu.memref_squeeze %dma_wait3A_421 : memref<1x128xi32, #tpu.memory_space<vmem>> -> memref<128xi32, #tpu.memory_space<vmem>>
      %dma_wait3A_423 = arith.constant 0 : i32
      %dma_wait3A_424 = arith.constant 0 : i32
      %dma_wait3A_425 = tpu.memref_slice %arg3[%dma_wait3A_423, %dma_wait3A_424] : memref<1000000x32xf32, #tpu.memory_space<hbm>> -> memref<1000000x32xf32, #tpu.memory_space<hbm>>
      tpu.wait_indirect_dma semaphore(%arg10 : memref<!tpu.dma_semaphore, #tpu.memory_space<semaphore_mem>>) src(%dma_wait3A_425 : memref<1000000x32xf32, #tpu.memory_space<hbm>>) dst(%dma_wait3A_419 : memref<128x32xf32, #tpu.memory_space<vmem>>)
      %dma_wait3A_426 = arith.constant 2 : i32
      %dma_wait3A_427 = arith.constant 2 : i32
      %dma_wait3A_428 = arith.constant 0 : i32
      %dma_wait3A_429 = arith.constant 0 : i32
      %dma_wait3A_430 = tpu.memref_slice %arg8[%dma_wait3A_427, %dma_wait3A_428, %dma_wait3A_429] : memref<10x128x32xf32, #tpu.memory_space<vmem>> -> memref<1x128x32xf32, #tpu.memory_space<vmem>>
      %dma_wait3A_431 = tpu.memref_squeeze %dma_wait3A_430 : memref<1x128x32xf32, #tpu.memory_space<vmem>> -> memref<128x32xf32, #tpu.memory_space<vmem>>
      %dma_wait3A_432 = arith.constant 0 : i32
      %dma_wait3A_433 = tpu.memref_slice %arg6[%dma_wait3A_426, %dma_wait3A_432] : memref<10x128xi32, #tpu.memory_space<vmem>> -> memref<1x128xi32, #tpu.memory_space<vmem>>
      %dma_wait3A_434 = tpu.memref_squeeze %dma_wait3A_433 : memref<1x128xi32, #tpu.memory_space<vmem>> -> memref<128xi32, #tpu.memory_space<vmem>>
      %dma_wait3A_435 = arith.constant 0 : i32
      %dma_wait3A_436 = arith.constant 0 : i32
      %dma_wait3A_437 = tpu.memref_slice %arg3[%dma_wait3A_435, %dma_wait3A_436] : memref<1000000x32xf32, #tpu.memory_space<hbm>> -> memref<1000000x32xf32, #tpu.memory_space<hbm>>
      tpu.wait_indirect_dma semaphore(%arg10 : memref<!tpu.dma_semaphore, #tpu.memory_space<semaphore_mem>>) src(%dma_wait3A_437 : memref<1000000x32xf32, #tpu.memory_space<hbm>>) dst(%dma_wait3A_431 : memref<128x32xf32, #tpu.memory_space<vmem>>)
      %dma_wait3A_438 = arith.constant 3 : i32
      %dma_wait3A_439 = arith.constant 3 : i32
      %dma_wait3A_440 = arith.constant 0 : i32
      %dma_wait3A_441 = arith.constant 0 : i32
      %dma_wait3A_442 = tpu.memref_slice %arg8[%dma_wait3A_439, %dma_wait3A_440, %dma_wait3A_441] : memref<10x128x32xf32, #tpu.memory_space<vmem>> -> memref<1x128x32xf32, #tpu.memory_space<vmem>>
      %dma_wait3A_443 = tpu.memref_squeeze %dma_wait3A_442 : memref<1x128x32xf32, #tpu.memory_space<vmem>> -> memref<128x32xf32, #tpu.memory_space<vmem>>
      %dma_wait3A_444 = arith.constant 0 : i32
      %dma_wait3A_445 = tpu.memref_slice %arg6[%dma_wait3A_438, %dma_wait3A_444] : memref<10x128xi32, #tpu.memory_space<vmem>> -> memref<1x128xi32, #tpu.memory_space<vmem>>
      %dma_wait3A_446 = tpu.memref_squeeze %dma_wait3A_445 : memref<1x128xi32, #tpu.memory_space<vmem>> -> memref<128xi32, #tpu.memory_space<vmem>>
      %dma_wait3A_447 = arith.constant 0 : i32
      %dma_wait3A_448 = arith.constant 0 : i32
      %dma_wait3A_449 = tpu.memref_slice %arg3[%dma_wait3A_447, %dma_wait3A_448] : memref<1000000x32xf32, #tpu.memory_space<hbm>> -> memref<1000000x32xf32, #tpu.memory_space<hbm>>
      tpu.wait_indirect_dma semaphore(%arg10 : memref<!tpu.dma_semaphore, #tpu.memory_space<semaphore_mem>>) src(%dma_wait3A_449 : memref<1000000x32xf32, #tpu.memory_space<hbm>>) dst(%dma_wait3A_443 : memref<128x32xf32, #tpu.memory_space<vmem>>)
      %dma_wait3A_450 = arith.constant 4 : i32
      %dma_wait3A_451 = arith.constant 4 : i32
      %dma_wait3A_452 = arith.constant 0 : i32
      %dma_wait3A_453 = arith.constant 0 : i32
      %dma_wait3A_454 = tpu.memref_slice %arg8[%dma_wait3A_451, %dma_wait3A_452, %dma_wait3A_453] : memref<10x128x32xf32, #tpu.memory_space<vmem>> -> memref<1x128x32xf32, #tpu.memory_space<vmem>>
      %dma_wait3A_455 = tpu.memref_squeeze %dma_wait3A_454 : memref<1x128x32xf32, #tpu.memory_space<vmem>> -> memref<128x32xf32, #tpu.memory_space<vmem>>
      %dma_wait3A_456 = arith.constant 0 : i32
      %dma_wait3A_457 = tpu.memref_slice %arg6[%dma_wait3A_450, %dma_wait3A_456] : memref<10x128xi32, #tpu.memory_space<vmem>> -> memref<1x128xi32, #tpu.memory_space<vmem>>
      %dma_wait3A_458 = tpu.memref_squeeze %dma_wait3A_457 : memref<1x128xi32, #tpu.memory_space<vmem>> -> memref<128xi32, #tpu.memory_space<vmem>>
      %dma_wait3A_459 = arith.constant 0 : i32
      %dma_wait3A_460 = arith.constant 0 : i32
      %dma_wait3A_461 = tpu.memref_slice %arg3[%dma_wait3A_459, %dma_wait3A_460] : memref<1000000x32xf32, #tpu.memory_space<hbm>> -> memref<1000000x32xf32, #tpu.memory_space<hbm>>
      tpu.wait_indirect_dma semaphore(%arg10 : memref<!tpu.dma_semaphore, #tpu.memory_space<semaphore_mem>>) src(%dma_wait3A_461 : memref<1000000x32xf32, #tpu.memory_space<hbm>>) dst(%dma_wait3A_455 : memref<128x32xf32, #tpu.memory_space<vmem>>)
      %dma_wait3A_462 = arith.constant 5 : i32
      %dma_wait3A_463 = arith.constant 5 : i32
      %dma_wait3A_464 = arith.constant 0 : i32
      %dma_wait3A_465 = arith.constant 0 : i32
      %dma_wait3A_466 = tpu.memref_slice %arg8[%dma_wait3A_463, %dma_wait3A_464, %dma_wait3A_465] : memref<10x128x32xf32, #tpu.memory_space<vmem>> -> memref<1x128x32xf32, #tpu.memory_space<vmem>>
      %dma_wait3A_467 = tpu.memref_squeeze %dma_wait3A_466 : memref<1x128x32xf32, #tpu.memory_space<vmem>> -> memref<128x32xf32, #tpu.memory_space<vmem>>
      %dma_wait3A_468 = arith.constant 0 : i32
      %dma_wait3A_469 = tpu.memref_slice %arg6[%dma_wait3A_462, %dma_wait3A_468] : memref<10x128xi32, #tpu.memory_space<vmem>> -> memref<1x128xi32, #tpu.memory_space<vmem>>
      %dma_wait3A_470 = tpu.memref_squeeze %dma_wait3A_469 : memref<1x128xi32, #tpu.memory_space<vmem>> -> memref<128xi32, #tpu.memory_space<vmem>>
      %dma_wait3A_471 = arith.constant 0 : i32
      %dma_wait3A_472 = arith.constant 0 : i32
      %dma_wait3A_473 = tpu.memref_slice %arg3[%dma_wait3A_471, %dma_wait3A_472] : memref<1000000x32xf32, #tpu.memory_space<hbm>> -> memref<1000000x32xf32, #tpu.memory_space<hbm>>
      tpu.wait_indirect_dma semaphore(%arg10 : memref<!tpu.dma_semaphore, #tpu.memory_space<semaphore_mem>>) src(%dma_wait3A_473 : memref<1000000x32xf32, #tpu.memory_space<hbm>>) dst(%dma_wait3A_467 : memref<128x32xf32, #tpu.memory_space<vmem>>)
      %dma_wait3A_474 = arith.constant 6 : i32
      %dma_wait3A_475 = arith.constant 6 : i32
      %dma_wait3A_476 = arith.constant 0 : i32
      %dma_wait3A_477 = arith.constant 0 : i32
      %dma_wait3A_478 = tpu.memref_slice %arg8[%dma_wait3A_475, %dma_wait3A_476, %dma_wait3A_477] : memref<10x128x32xf32, #tpu.memory_space<vmem>> -> memref<1x128x32xf32, #tpu.memory_space<vmem>>
      %dma_wait3A_479 = tpu.memref_squeeze %dma_wait3A_478 : memref<1x128x32xf32, #tpu.memory_space<vmem>> -> memref<128x32xf32, #tpu.memory_space<vmem>>
      %dma_wait3A_480 = arith.constant 0 : i32
      %dma_wait3A_481 = tpu.memref_slice %arg6[%dma_wait3A_474, %dma_wait3A_480] : memref<10x128xi32, #tpu.memory_space<vmem>> -> memref<1x128xi32, #tpu.memory_space<vmem>>
      %dma_wait3A_482 = tpu.memref_squeeze %dma_wait3A_481 : memref<1x128xi32, #tpu.memory_space<vmem>> -> memref<128xi32, #tpu.memory_space<vmem>>
      %dma_wait3A_483 = arith.constant 0 : i32
      %dma_wait3A_484 = arith.constant 0 : i32
      %dma_wait3A_485 = tpu.memref_slice %arg3[%dma_wait3A_483, %dma_wait3A_484] : memref<1000000x32xf32, #tpu.memory_space<hbm>> -> memref<1000000x32xf32, #tpu.memory_space<hbm>>
      tpu.wait_indirect_dma semaphore(%arg10 : memref<!tpu.dma_semaphore, #tpu.memory_space<semaphore_mem>>) src(%dma_wait3A_485 : memref<1000000x32xf32, #tpu.memory_space<hbm>>) dst(%dma_wait3A_479 : memref<128x32xf32, #tpu.memory_space<vmem>>)
      %dma_wait3A_486 = arith.constant 7 : i32
      %dma_wait3A_487 = arith.constant 7 : i32
      %dma_wait3A_488 = arith.constant 0 : i32
      %dma_wait3A_489 = arith.constant 0 : i32
      %dma_wait3A_490 = tpu.memref_slice %arg8[%dma_wait3A_487, %dma_wait3A_488, %dma_wait3A_489] : memref<10x128x32xf32, #tpu.memory_space<vmem>> -> memref<1x128x32xf32, #tpu.memory_space<vmem>>
      %dma_wait3A_491 = tpu.memref_squeeze %dma_wait3A_490 : memref<1x128x32xf32, #tpu.memory_space<vmem>> -> memref<128x32xf32, #tpu.memory_space<vmem>>
      %dma_wait3A_492 = arith.constant 0 : i32
      %dma_wait3A_493 = tpu.memref_slice %arg6[%dma_wait3A_486, %dma_wait3A_492] : memref<10x128xi32, #tpu.memory_space<vmem>> -> memref<1x128xi32, #tpu.memory_space<vmem>>
      %dma_wait3A_494 = tpu.memref_squeeze %dma_wait3A_493 : memref<1x128xi32, #tpu.memory_space<vmem>> -> memref<128xi32, #tpu.memory_space<vmem>>
      %dma_wait3A_495 = arith.constant 0 : i32
      %dma_wait3A_496 = arith.constant 0 : i32
      %dma_wait3A_497 = tpu.memref_slice %arg3[%dma_wait3A_495, %dma_wait3A_496] : memref<1000000x32xf32, #tpu.memory_space<hbm>> -> memref<1000000x32xf32, #tpu.memory_space<hbm>>
      tpu.wait_indirect_dma semaphore(%arg10 : memref<!tpu.dma_semaphore, #tpu.memory_space<semaphore_mem>>) src(%dma_wait3A_497 : memref<1000000x32xf32, #tpu.memory_space<hbm>>) dst(%dma_wait3A_491 : memref<128x32xf32, #tpu.memory_space<vmem>>)
      %dma_wait3A_498 = arith.constant 8 : i32
      %dma_wait3A_499 = arith.constant 8 : i32
      %dma_wait3A_500 = arith.constant 0 : i32
      %dma_wait3A_501 = arith.constant 0 : i32
      %dma_wait3A_502 = tpu.memref_slice %arg8[%dma_wait3A_499, %dma_wait3A_500, %dma_wait3A_501] : memref<10x128x32xf32, #tpu.memory_space<vmem>> -> memref<1x128x32xf32, #tpu.memory_space<vmem>>
      %dma_wait3A_503 = tpu.memref_squeeze %dma_wait3A_502 : memref<1x128x32xf32, #tpu.memory_space<vmem>> -> memref<128x32xf32, #tpu.memory_space<vmem>>
      %dma_wait3A_504 = arith.constant 0 : i32
      %dma_wait3A_505 = tpu.memref_slice %arg6[%dma_wait3A_498, %dma_wait3A_504] : memref<10x128xi32, #tpu.memory_space<vmem>> -> memref<1x128xi32, #tpu.memory_space<vmem>>
      %dma_wait3A_506 = tpu.memref_squeeze %dma_wait3A_505 : memref<1x128xi32, #tpu.memory_space<vmem>> -> memref<128xi32, #tpu.memory_space<vmem>>
      %dma_wait3A_507 = arith.constant 0 : i32
      %dma_wait3A_508 = arith.constant 0 : i32
      %dma_wait3A_509 = tpu.memref_slice %arg3[%dma_wait3A_507, %dma_wait3A_508] : memref<1000000x32xf32, #tpu.memory_space<hbm>> -> memref<1000000x32xf32, #tpu.memory_space<hbm>>
      tpu.wait_indirect_dma semaphore(%arg10 : memref<!tpu.dma_semaphore, #tpu.memory_space<semaphore_mem>>) src(%dma_wait3A_509 : memref<1000000x32xf32, #tpu.memory_space<hbm>>) dst(%dma_wait3A_503 : memref<128x32xf32, #tpu.memory_space<vmem>>)
      %dma_wait3A_510 = arith.constant 9 : i32
      %dma_wait3A_511 = arith.constant 9 : i32
      %dma_wait3A_512 = arith.constant 0 : i32
      %dma_wait3A_513 = arith.constant 0 : i32
      %dma_wait3A_514 = tpu.memref_slice %arg8[%dma_wait3A_511, %dma_wait3A_512, %dma_wait3A_513] : memref<10x128x32xf32, #tpu.memory_space<vmem>> -> memref<1x128x32xf32, #tpu.memory_space<vmem>>
      %dma_wait3A_515 = tpu.memref_squeeze %dma_wait3A_514 : memref<1x128x32xf32, #tpu.memory_space<vmem>> -> memref<128x32xf32, #tpu.memory_space<vmem>>
      %dma_wait3A_516 = arith.constant 0 : i32
      %dma_wait3A_517 = tpu.memref_slice %arg6[%dma_wait3A_510, %dma_wait3A_516] : memref<10x128xi32, #tpu.memory_space<vmem>> -> memref<1x128xi32, #tpu.memory_space<vmem>>
      %dma_wait3A_518 = tpu.memref_squeeze %dma_wait3A_517 : memref<1x128xi32, #tpu.memory_space<vmem>> -> memref<128xi32, #tpu.memory_space<vmem>>
      %dma_wait3A_519 = arith.constant 0 : i32
      %dma_wait3A_520 = arith.constant 0 : i32
      %dma_wait3A_521 = tpu.memref_slice %arg3[%dma_wait3A_519, %dma_wait3A_520] : memref<1000000x32xf32, #tpu.memory_space<hbm>> -> memref<1000000x32xf32, #tpu.memory_space<hbm>>
      tpu.wait_indirect_dma semaphore(%arg10 : memref<!tpu.dma_semaphore, #tpu.memory_space<semaphore_mem>>) src(%dma_wait3A_521 : memref<1000000x32xf32, #tpu.memory_space<hbm>>) dst(%dma_wait3A_515 : memref<128x32xf32, #tpu.memory_space<vmem>>)
      %add3A_522 = arith.constant 10 : i32
      %add3A_523 = arith.addi %add3A_147, %add3A_522 : i32
      %dma_start3A_524 = arith.constant 0 : i32
      %dma_start3A_525 = arith.constant 0 : i32
      %dma_start3A_526 = tpu.memref_slice %arg4[%add3A_523, %dma_start3A_524, %dma_start3A_525] : memref<25600x128x32xf32, #tpu.memory_space<hbm>> -> memref<10x128x32xf32, #tpu.memory_space<hbm>>
      %dma_start3A_527 = arith.constant 0 : i32
      %dma_start3A_528 = arith.constant 0 : i32
      %dma_start3A_529 = tpu.memref_slice %arg4[%add3A_523, %dma_start3A_527, %dma_start3A_528] : memref<25600x128x32xf32, #tpu.memory_space<hbm>> -> memref<10x128x32xf32, #tpu.memory_space<hbm>>
      tpu.enqueue_dma source(%arg8 : memref<10x128x32xf32, #tpu.memory_space<vmem>>) target(%dma_start3A_529 : memref<10x128x32xf32, #tpu.memory_space<hbm>>) target_semaphore(%arg12 : memref<!tpu.dma_semaphore, #tpu.memory_space<semaphore_mem>>)
    }
    %scan3A_126 = arith.constant 40 : i32
    %dma_wait3A = arith.constant 0 : i32
    %dma_wait3A_127 = arith.constant 0 : i32
    %dma_wait3A_128 = arith.constant 0 : i32
    %dma_wait3A_129 = tpu.memref_slice %arg4[%dma_wait3A, %dma_wait3A_127, %dma_wait3A_128] : memref<25600x128x32xf32, #tpu.memory_space<hbm>> -> memref<10x128x32xf32, #tpu.memory_space<hbm>>
    %dma_wait3A_130 = arith.constant 0 : i32
    %dma_wait3A_131 = arith.constant 0 : i32
    %dma_wait3A_132 = arith.constant 0 : i32
    %dma_wait3A_133 = tpu.memref_slice %arg4[%dma_wait3A_130, %dma_wait3A_131, %dma_wait3A_132] : memref<25600x128x32xf32, #tpu.memory_space<hbm>> -> memref<10x128x32xf32, #tpu.memory_space<hbm>>
    tpu.wait_dma2 semaphore(%arg11 : memref<!tpu.dma_semaphore, #tpu.memory_space<semaphore_mem>>) src(%arg7 : memref<10x128x32xf32, #tpu.memory_space<vmem>>) dst(%dma_wait3A_133 : memref<10x128x32xf32, #tpu.memory_space<hbm>>)
    %dma_wait3A_134 = arith.constant 0 : i32
    %dma_wait3A_135 = arith.constant 0 : i32
    %dma_wait3A_136 = arith.constant 0 : i32
    %dma_wait3A_137 = tpu.memref_slice %arg4[%dma_wait3A_134, %dma_wait3A_135, %dma_wait3A_136] : memref<25600x128x32xf32, #tpu.memory_space<hbm>> -> memref<10x128x32xf32, #tpu.memory_space<hbm>>
    %dma_wait3A_138 = arith.constant 0 : i32
    %dma_wait3A_139 = arith.constant 0 : i32
    %dma_wait3A_140 = arith.constant 0 : i32
    %dma_wait3A_141 = tpu.memref_slice %arg4[%dma_wait3A_138, %dma_wait3A_139, %dma_wait3A_140] : memref<25600x128x32xf32, #tpu.memory_space<hbm>> -> memref<10x128x32xf32, #tpu.memory_space<hbm>>
    tpu.wait_dma2 semaphore(%arg12 : memref<!tpu.dma_semaphore, #tpu.memory_space<semaphore_mem>>) src(%arg8 : memref<10x128x32xf32, #tpu.memory_space<vmem>>) dst(%dma_wait3A_141 : memref<10x128x32xf32, #tpu.memory_space<hbm>>)
    return
  }
}

</mosaic_0001>

<sc_bundles>
// kernel: kernel.3.cloned.1.call-start
scs
__scs_entry_jumppad:
0x0: {  	(pc) =	sbr.rel $0x88, $3  }
0x1: {  	(tag) =	ssettag $0x0;
	lr =	simm.s32 $0x1  }
0x2: {  	[smem:$0x3F9F] =	sst lr;
	_ =	strace $0xD0000000  }
0x3: {  	_ = 	snop  }
0x4: {  	_ = 	snop  }
0x5: {  	_ = 	snop  }
0x6: {  	_ = 	snop  }
0x7: {  	_ = 	snop  }
__scs_overlays_trampoline_lowered:
0x8: {  	[smem:$0x3FAE] =	sst s0  }
0x9: {  	[smem:$0x3FAF] =	sst s1  }
0xa: {  	[smem:$0x3FB0] =	sst s2  }
0xb: {  	[smem:$0x3FB1] =	sst s3  }
0xc: {  	[smem:$0x3FB2] =	sst s4  }
0xd: {  	[smem:$0x3FB3] =	sst s5  }
0xe: {  	[smem:$0x3FB4] =	sst s6  }
0xf: {  	[smem:$0x3FB5] =	sst s7  }
0x10: {  	[smem:$0x3FB6] =	sst s8  }
0x11: {  	[smem:$0x3FB7] =	sst s9;
	s0 =	simm.s32 @!p0 $0x0  }
0x12: {  	s1 =	sld [smem:$0x3F9D];
	s0 =	simm.s32 @p0 $0x1  }
0x13: {  	[smem:$0x3FB8] =	sst s0;
	s0 =	simm.s32 @!p1 $0x0  }
0x14: {  	s2 =	sld [smem:$0x3F9C];
	s0 =	simm.s32 @p1 $0x1  }
0x15: {  	[smem:$0x3FB9] =	sst s0;
	s0 =	simm.s32 @!p2 $0x0  }
0x16: {  	s3 =	sld [smem:$0x3FDB];
	s0 =	simm.s32 @p2 $0x1  }
0x17: {  	s4 =	simm.s32 $0x1BF5;
	[smem:$0x3FBB] =	sst s0  }
0x18: {  	s0 =	sld [smem:$0x3F9E];
	_ =	swait.ge [sflag:s4], $0x0  }
0x19: {  	s7 =	sld [smem:$0x3F9F]  }
0x1a: {  	s8 =	sadd.s32 $0xFFFFE003, lr  }
0x1b: {  	s9 =	sadd.s32 $0xFFFFFEF7, lr;
	s5 =	simm.s32 $0xFFFFFFFF;
	p2 =	slt.u32 s8, $0xFFFFF086  }
0x1c: {  	p1 =	slt.u32 s9, $0xF7A;
	s5 =	simm.s32 @!p2 $0x0  }
0x1d: {  	s5 =	simm.s32 @p1 $0x1;
	p0 =	seq.s32 s7, s2  }
0x1e: {  	s7 =	smul.u32 @!p0 $0xF7A, s2;
	p2 =	seq.s32 @!p0 s5, $0x0  }
0x1f: {  	s9 =	smul.u32 $0xF7A, s1;
	s8 =	simm.s32 @!p0 $0x1BF5;
	p2 =	por !p2, p0  }
0x20: {  	[sflag:s8] =	ssyncset.s32 @!p0 $0xFFFFF086;
	s6 =	sadd.s32 @!p0 s3, s7;
	s7 =	simm.s32 @!p0 $0x108  }
0x21: {  	s3 =	sadd.s32 s3, s9;
	s6 =	sadd.s32 @!p0 $0x88, s6;
	s7 =	simm.s32 @p2 $0x1082  }
0x22: {  	[simem:s7], [sflag:s8] =	dma.local @!p0 [hbm:s6], $0xF7A  }
0x23: {  	s9 =	sor.u32 $0xD0000000, s2;
	s6 =	simm.s32 $0x108;
	_ =	swait.ge @!p0 [sflag:s8], $0x0  }
0x24: {  	s3 =	sadd.s32 $0x88, s3;
	s6 =	simm.s32 @!p1 $0x1082;
	[sflag:s4] =	ssyncset.s32 $0xFFFFF086  }
0x25: {  	[simem:s6], [sflag:s4] =	dma.local [hbm:s3], $0xF7A  }
0x26: {  	[smem:$0x3F9F] =	sst s1;
	(tag) =	ssettag s2;
	_ =	strace s9  }
0x27: {  	s1 =	sld [smem:$0x3FAF]  }
0x28: {  	s2 =	sld [smem:$0x3FB0]  }
0x29: {  	s4 =	sld [smem:$0x3FB2]  }
0x2a: {  	p0 =	seq.s32 s5, $0x0;
	s5 =	sld [smem:$0x3FB3]  }
0x2b: {  	s6 =	sld [smem:$0x3FB4]  }
0x2c: {  	s7 =	sld [smem:$0x3FB5]  }
0x2d: {  	s3 =	simm.s32 $0x108;
	s8 =	sld [smem:$0x3FB6]  }
0x2e: {  	s3 =	simm.s32 @!p0 $0x1082;
	s9 =	sld [smem:$0x3FB7]  }
0x2f: {  	lr =	sadd.s32 s0, s3;
	s0 =	sld [smem:$0x3FAE]  }
0x30: {  	s3 =	sld [smem:$0x3FB1]  }
0x31: {  	[smem:$0x3FBA] =	sst s10  }
0x32: {  	s10 =	sld [smem:$0x3FB8];
	_ =	sdelay $0x3  }
0x33: {  	p0 =	seq.s32 s10, $0x1;
	s10 =	sld [smem:$0x3FBA];
	_ =	sdelay $0x3  }
0x34: {  	[smem:$0x3FBA] =	sst s10  }
0x35: {  	s10 =	sld [smem:$0x3FB9];
	_ =	sdelay $0x3  }
0x36: {  	p1 =	seq.s32 s10, $0x1;
	s10 =	sld [smem:$0x3FBA];
	_ =	sdelay $0x3  }
0x37: {  	[smem:$0x3FBA] =	sst s10  }
0x38: {  	s10 =	sld [smem:$0x3FBB]  }
0x39: {  	_ = 	snop;
	(pc) =	sbr.ind lr, $3  }
0x3a: {  	_ = 	snop  }
0x3b: {  	_ = 	snop  }
0x3c: {  	p2 =	seq.s32 s10, $0x1;
	s10 =	sld [smem:$0x3FBA]  }
0x3d: {  	_ =	shalt  }
0x3e: {  	_ =	shalt  }
0x3f: {  	_ =	shalt  }
0x40: {  	_ =	shalt  }
0x41: {  	_ =	shalt  }
0x42: {  	_ =	shalt  }
0x43: {  	_ =	shalt  }
0x44: {  	_ =	shalt  }
0x45: {  	_ =	shalt  }
0x46: {  	_ =	shalt  }
0x47: {  	_ =	shalt  }
0x48: {  	_ =	shalt  }
0x49: {  	_ =	shalt  }
0x4a: {  	_ =	shalt  }
0x4b: {  	_ =	shalt  }
0x4c: {  	_ =	shalt  }
0x4d: {  	_ =	shalt  }
0x4e: {  	_ =	shalt  }
0x4f: {  	_ =	shalt  }
0x50: {  	_ =	shalt  }
0x51: {  	_ =	shalt  }
0x52: {  	_ =	shalt  }
0x53: {  	_ =	shalt  }
0x54: {  	_ =	shalt  }
0x55: {  	_ =	shalt  }
0x56: {  	_ =	shalt  }
0x57: {  	_ =	shalt  }
0x58: {  	_ =	shalt  }
0x59: {  	_ =	shalt  }
0x5a: {  	_ =	shalt  }
0x5b: {  	_ =	shalt  }
0x5c: {  	_ =	shalt  }
0x5d: {  	_ =	shalt  }
0x5e: {  	_ =	shalt  }
0x5f: {  	_ =	shalt  }
0x60: {  	_ =	shalt  }
0x61: {  	_ =	shalt  }
0x62: {  	_ =	shalt  }
0x63: {  	_ =	shalt  }
0x64: {  	_ =	shalt  }
0x65: {  	_ =	shalt  }
0x66: {  	_ =	shalt  }
0x67: {  	_ =	shalt  }
0x68: {  	_ =	shalt  }
0x69: {  	_ =	shalt  }
0x6a: {  	_ =	shalt  }
0x6b: {  	_ =	shalt  }
0x6c: {  	_ =	shalt  }
0x6d: {  	_ =	shalt  }
0x6e: {  	_ =	shalt  }
0x6f: {  	_ =	shalt  }
0x70: {  	_ =	shalt  }
0x71: {  	_ =	shalt  }
0x72: {  	_ =	shalt  }
0x73: {  	_ =	shalt  }
0x74: {  	_ =	shalt  }
0x75: {  	_ =	shalt  }
0x76: {  	_ =	shalt  }
0x77: {  	_ =	shalt  }
0x78: {  	_ =	shalt  }
0x79: {  	_ =	shalt  }
0x7a: {  	_ =	shalt  }
0x7b: {  	_ =	shalt  }
0x7c: {  	_ =	shalt  }
0x7d: {  	_ =	shalt  }
0x7e: {  	_ =	shalt  }
0x7f: {  	_ =	shalt  }
0x80: {  	_ =	shalt  }
0x81: {  	_ =	shalt  }
0x82: {  	_ =	shalt  }
0x83: {  	_ =	shalt  }
0x84: {  	_ =	shalt  }
0x85: {  	_ =	shalt  }
0x86: {  	_ =	shalt  }
0x87: {  	_ =	shalt  }
.Lfunc_end0:
.L_simem_size_0:
called_computation.1_lowered:
.L_overlay_start_0:
0x88: {  	s2 =	sld [smem:$0x3FD9]  }
0x89: {  	s3 =	sld [smem:$0x3FFE];
	_ =	sdelay $0x1  }
0x8a: {  	s1 =	srdreg.scid  }
0x8b: {  	s0 =	sand.u32 $0x1, s1  }
0x8c: {  	s17 =	sshll.u32 s0, $0xA;
	s2 =	sadd.s32 s3, s2  }
0x8d: {  	s2 =	sadd.s32 s2, s17  }
0x8e: {  	[smem:$0x3FC6] =	sst s2  }
0x8f: {  	_ = 	snop  }
0x90: {  	s2 =	sld [smem:$0x3FD0];
	(tm) =	ssettm $0x1  }
0x91: {  	s18 =	sld [smem:$0x3FFB];
	_ =	sdelay $0x3  }
0x92: {  	_ =	strace s18  }
0x93: {  	s3 =	sld [smem:$0x3FFC];
	_ =	sdelay $0x3  }
0x94: {  	_ =	strace s3  }
0x95: {  	s3 =	sld [smem:$0x3FFD];
	_ =	sdelay $0x3  }
0x96: {  	_ =	strace s3  }
0x97: {  	_ =	strace $0x8FFFFFFF  }
0x98: {  	s19 =	sld [smem:$0x3FDB];
	_ =	sdelay $0x1  }
0x99: {  	s4 =	simm.s32 $_scs_section_size  }
0x9a: {  	s5 =	simm.s32 $_size__tile_overlayer_lowered;
	s6 =	simm.s32 $_tile_overlayer_lowered  }
0x9b: {  	s22 =	simm.s32 $0x1BFF;
	s21 =	sshll.u32 s6, $0x1;
	s3 =	sadd.s32 s4, s19  }
0x9c: {  	s7 =	simm.s32 $0x0;
	s20 =	sshll.u32 s5, $0x1;
	s5 =	sadd.s32 s21, s3  }
0x9d: {  	[timem:s7], [sflag:s22] =	dma.local [hbm:s5], s20  }
0x9e: {  	_ =	swait.ge [sflag:s22], s20  }
0x9f: {  	s4 =	ssub.s32 $0x0, s20;
	[sflag:s22] =	ssyncset.done $0x0  }
0xa0: {  	[sflag:s22] =	ssyncadd.s32 s4;
	_ =	sdelay $0x1  }
0xa1: {  	s23 =	simm.s32 $0x1B8B  }
0xa2: {  	_ =	swait.ge [sflag:s23], $0x1  }
0xa3: {  	[sflag:s23] =	ssyncset.done $0x0  }
0xa4: {  	s25 =	simm.s32 $0x1B8E;
	s24 =	sld [smem:$0x3FFE];
	[sflag:s23] =	ssyncadd.s32 $0xFFFFFFFF  }
0xa5: {  	s26 =	simm.s32 $execute0_lowered;
	[smem:$0x3FD2] =	sst s25  }
0xa6: {  	s5 =	sshll.u32 s26, $0x1;
	_ =	strace $0x80000046;
	[dreg:$0x1] =	wrdreg $0xFFFFFFFF  }
0xa7: {  	s28 =	simm.s32 $_size_execute0_lowered;
	s3 =	sadd.s32 s3, s5;
	[dreg:$0x0] =	wrdreg $0x0  }
0xa8: {  	s5 =	sshll.u32 s28, $0x1;
	[dreg:$0x2] =	wrdreg s3  }
0xa9: {  	[dreg:$0x3] =	wrdreg s5  }
0xaa: {  	[dreg:$0x4] =	wrdreg $0xC0  }
0xab: {  	_ =	task [dreg:s7], $0x5FFFF  }
0xac: {  	[dreg:$0x1] =	wrdreg $0xFFFFFFFF  }
0xad: {  	[dreg:$0x0] =	wrdreg $0x60  }
0xae: {  	[dreg:$0x2] =	wrdreg s24  }
0xaf: {  	[dreg:$0x3] =	wrdreg s2  }
0xb0: {  	[dreg:$0x4] =	wrdreg $0x9  }
0xb1: {  	_ =	task.clear_ibuf [dreg:s7], $0x5FFFF;
	_ =	strace $0x90000046  }
0xb2: {  	s29 =	simm.s32 $0x9;
	_ =	strace $0x80000048  }
0xb3: {  	_ =	swait.ge [sflag:s29], $0x1  }
0xb4: {  	[sflag:s29] =	ssyncadd.s32 $0xFFFFFFFF  }
0xb5: {  	_ =	strace $0x90000048  }
0xb6: {  	_ =	sfence  }
0xb7: {  	s30 =	sld [smem:$0x0];
	_ =	sdelay $0x2  }
0xb8: {  	s31 =	sshll.u32 s1, $0xD;
	s1 =	sshrl.u32 s1, $0x2  }
0xb9: {  	s3 =	sand.u32 $0x4000, s31;
	s1 =	sadd.s32 s1, s30  }
0xba: {  	s0 =	sor.u32 s3, s0;
	s1 =	sshll.u32 s1, $0x11  }
0xbb: {  	s0 =	sor.u32 s1, s0  }
0xbc: {  	s0 =	sadd.s32 $0x8F2B, s0  }
0xbd: {  	[sflag:s0] =	ssyncadd.remote.s32 $0x1  }
0xbe: {  	_ =	sfence.sel $0xFFFF  }
0xbf: {  	[dreg:$0x0] =	wrdreg $0xFFFFFFFF;
	(pc) =	sbr.abs _section_cstart, $3  }
0xc0: {  	[dreg:$0x1] =	wrdreg $0xFFFFFFFF  }
0xc1: {  	_ =	task.clear_ibuf [dreg:s7], $0x2FFFF;
	_ =	strace $0x9FFFFFFF  }
0xc2: {  	(tm) =	ssettm $0x7FFFFFFF  }
0xc3: {  	_ =	shalt  }
tec
execute0_lowered:
.L_overlay_start_1:
0x0: {  	(tag) =	ssettag $0x1  }
0x1: {  	s0 =	rddreg [dreg:$0x0]  }
0x2: {  	s1 =	rddreg [dreg:$0x1]  }
0x3: {  	s3 =	srdreg.scid;
	s11 =	stileid.u32  }
0x4: {  	s2 =	simm.s32 $0x0;
	s12 =	simm.s32 $0x680;
	s8 =	smul.u32 $0x640, s11  }
0x5: {  	s14 =	simm.s32 $0xDA00;
	s22 =	sshll.u32 s11, $0x1;
	s10 =	smul.u32 $0x6400, s11  }
0x6: {  	[smem:$0x7FF] =	sst s2;
	s26 =	smul.u32 $0xC8000, s11;
	s11 =	simm.s32 $0xCA00  }
0x7: {  	s15 =	simm.s32 $0x700;
	_ =	strace $0x80000047;
	[dreg:$0x8] =	wrdreg s11  }
0x8: {  	s17 =	simm.s32 $0xEA00;
	s18 =	simm.s32 $0x780;
	[dreg:$0x9] =	wrdreg s12  }
0x9: {  	s19 =	simm.s32 $0xFA00;
	s20 =	simm.s32 $0x800;
	[dreg:$0xa] =	wrdreg s14  }
0xa: {  	s21 =	simm.s32 $0x10A00;
	s29 =	simm.s32 $0x500;
	[dreg:$0xb] =	wrdreg s15  }
0xb: {  	s30 =	simm.s32 $0xAA00;
	s31 =	simm.s32 $0x1;
	[dreg:$0xc] =	wrdreg s17  }
0xc: {  	s6 =	sand.u32 $0x1, s3;
	s7 =	sadd.s32 $0x800, s0;
	[dreg:$0xd] =	wrdreg s18  }
0xd: {  	s3 =	sor.u32 s6, s22;
	s9 =	smul.u32 $0x320, s6;
	[dreg:$0xe] =	wrdreg s19  }
0xe: {  	s5 =	ssub.s32 $0x2, s6;
	s24 =	smul.u32 $0x3200, s6;
	[dreg:$0xf] =	wrdreg s20  }
0xf: {  	s6 =	smul.u32 $0x64000, s6;
	[dreg:$0x10] =	wrdreg s21;
	s22 =	simm.s32 $0x880  }
0x10: {  	s11 =	simm.s32 $0x4;
	s12 =	simm.s32 $0x0;
	s4 =	smul.u32 $0x3200, s3  }
0x11: {  	s3 =	sadd.s32 $0xFA6C00, s0;
	s23 =	sshrl.u32 s5, $0x1;
	s25 =	sadd.s32 s10, s7  }
0x12: {  	s28 =	sadd.s32 s26, s1;
	s10 =	simm.s32 $0x600;
	[dreg:$0x11] =	wrdreg s22  }
0x13: {  	s26 =	simm.s32 $0x980;
	s0 =	ssub.s32 s5, s23;
	[dreg:$0x7] =	wrdreg s10  }
0x14: {  	s8 =	sadd.s32 s9, s8;
	s9 =	simm.s32 $0xBA00;
	[dreg:$0x15] =	wrdreg s26  }
0x15: {  	s16 =	sadd.s32 s6, s28;
	s23 =	simm.s32 $0x11A00;
	[dreg:$0x6] =	wrdreg s9  }
0x16: {  	s10 =	simm.s32 $0xA00;
	s28 =	simm.s32 $0x13A00;
	[dreg:$0x12] =	wrdreg s23  }
0x17: {  	s4 =	sadd.s32 s7, s4;
	s5 =	smax.u32 s0, $0x1;
	[dreg:$0x16] =	wrdreg s28  }
0x18: {  	s0 =	sadd.s32 s24, s25;
	s24 =	simm.s32 $0x900;
	[dreg:$0x17] =	wrdreg s4  }
0x19: {  	s8 =	sor.u32 $0xA, s8;
	s25 =	simm.s32 $0x12A00;
	[dreg:$0x13] =	wrdreg s24  }
0x1a: {  	s8 =	sshrl.u32 s8, $0x1;
	s0 =	sadd.s32 $0x140, s0;
	[dreg:$0x14] =	wrdreg s25  }
0x1b: {  	s9 =	simm.s32 $0x80;
	s4 =	sshll.u32 s8, $0x5;
	[dreg:$0x3] =	wrdreg s0  }
0x1c: {  	s0 =	simm.s32 $0x2;
	s6 =	sadd.s32 s4, s7;
	s7 =	sshll.u32 s8, $0xA  }
0x1d: {  	s8 =	simm.s32 $0x580;
	[dreg:$0x4] =	wrdreg s6;
	s13 =	sadd.s32 s7, s1  }
0x1e: {  	[dreg:$0x5] =	wrdreg s8;
	s8 =	simm.s32 $0x5;
	s1 =	simm.s32 $0x3  }
.LBB2_1:
0x1f: {  	s4 =	rddreg [dreg:$0x17]  }
0x20: {  	[tilespmem:s2], [sflag:$0x5] =	stream.linear.gather [hbm4b:s4+s2], $0x500, $0x38;
	[tilespmem:$0x14A00] =	vst v63  }
0x21: {  	_ =	swait.ge [sflag:s8], $0x500  }
0x22: {  	[sflag:s8] =	ssyncset.done $0x0  }
0x23: {  	[sflag:s8] =	ssyncadd.s32 $0xFFFFFB00  }
0x24: {  	[tilespmem:s10], [sflag:$0x1] =	stream.indirect.gather [hbm4b:s3+s9], $0x20, s2, s9, $0xb8;
	[tilespmem:$0x14A00] =	vst v63  }
0x25: {  	s24 =	simm.s32 $0x1A00  }
0x26: {  	[tilespmem:s24], [sflag:$0x1] =	stream.indirect.gather [hbm4b:s3+s9], $0x20, s9, s9, $0xb8;
	[tilespmem:$0x14A00] =	vst v63  }
0x27: {  	s25 =	simm.s32 $0x100;
	s6 =	simm.s32 $0x2A00  }
0x28: {  	[tilespmem:s6], [sflag:$0x1] =	stream.indirect.gather [hbm4b:s3+s9], $0x20, s25, s9, $0xb8;
	[tilespmem:$0x14A00] =	vst v63  }
0x29: {  	s26 =	simm.s32 $0x180;
	s28 =	simm.s32 $0x3A00  }
0x2a: {  	[tilespmem:s28], [sflag:$0x1] =	stream.indirect.gather [hbm4b:s3+s9], $0x20, s26, s9, $0xb8;
	[tilespmem:$0x14A00] =	vst v63  }
0x2b: {  	s7 =	simm.s32 $0x4A00;
	s6 =	simm.s32 $0x200  }
0x2c: {  	[tilespmem:s7], [sflag:$0x1] =	stream.indirect.gather [hbm4b:s3+s9], $0x20, s6, s9, $0xb8;
	[tilespmem:$0x14A00] =	vst v63  }
0x2d: {  	s14 =	simm.s32 $0x280;
	s15 =	simm.s32 $0x5A00  }
0x2e: {  	[tilespmem:s15], [sflag:$0x1] =	stream.indirect.gather [hbm4b:s3+s9], $0x20, s14, s9, $0xb8;
	[tilespmem:$0x14A00] =	vst v63  }
0x2f: {  	s17 =	simm.s32 $0x300;
	s18 =	simm.s32 $0x6A00  }
0x30: {  	[tilespmem:s18], [sflag:$0x1] =	stream.indirect.gather [hbm4b:s3+s9], $0x20, s17, s9, $0xb8;
	[tilespmem:$0x14A00] =	vst v63  }
0x31: {  	s19 =	simm.s32 $0x380;
	s20 =	simm.s32 $0x7A00  }
0x32: {  	[tilespmem:s20], [sflag:$0x1] =	stream.indirect.gather [hbm4b:s3+s9], $0x20, s19, s9, $0xb8;
	[tilespmem:$0x14A00] =	vst v63  }
0x33: {  	s21 =	simm.s32 $0x400;
	s22 =	simm.s32 $0x8A00  }
0x34: {  	[tilespmem:s22], [sflag:$0x1] =	stream.indirect.gather [hbm4b:s3+s9], $0x20, s21, s9, $0xb8;
	[tilespmem:$0x14A00] =	vst v63  }
0x35: {  	s23 =	rddreg [dreg:$0x4];
	s24 =	simm.s32 $0x480;
	s7 =	simm.s32 $0x9A00  }
0x36: {  	[tilespmem:s7], [sflag:$0x1] =	stream.indirect.gather [hbm4b:s3+s9], $0x20, s24, s9, $0xb8;
	[tilespmem:$0x14A00] =	vst v63  }
0x37: {  	s6 =	sadd.s32 $0x0, s23  }
0x38: {  	[tilespmem:s29], [sflag:$0x5] =	stream.linear.gather [hbm4b:s6+s2], $0x500, $0x38;
	[tilespmem:$0x14A00] =	vst v63  }
0x39: {  	_ =	swait.ge [sflag:s8], $0x500  }
0x3a: {  	p0 =	por $0x1, $0x1;
	[sflag:s8] =	ssyncset.done $0x0  }
0x3b: {  	s6 =	simm.s32 @!p0 $0x4;
	[sflag:s8] =	ssyncadd.s32 $0xFFFFFB00  }
0x3c: {  	_ =	swait.ge @!p0 [sflag:s6], $0xA000  }
0x3d: {  	s25 =	rddreg [dreg:$0x7]  }
0x3e: {  	s14 =	rddreg [dreg:$0x5]  }
0x3f: {  	s26 =	rddreg [dreg:$0x6]  }
0x40: {  	s15 =	rddreg [dreg:$0x8]  }
0x41: {  	s28 =	rddreg [dreg:$0x9]  }
0x42: {  	s4 =	rddreg [dreg:$0xa]  }
0x43: {  	s17 =	rddreg [dreg:$0xb]  }
0x44: {  	[sflag:s6] =	ssyncset.done @!p0 $0x0;
	s18 =	rddreg [dreg:$0xe]  }
0x45: {  	s19 =	rddreg [dreg:$0xd];
	[sflag:s6] =	ssyncadd.s32 @!p0 $0xFFFF6000  }
0x46: {  	[tilespmem:s30], [sflag:$0x2] =	stream.indirect.gather [hbm4b:s3+s9], $0x20, s29, s9, $0xb8;
	[tilespmem:$0x14A00] =	vst v63  }
0x47: {  	s20 =	rddreg [dreg:$0x10]  }
0x48: {  	[tilespmem:s26], [sflag:$0x2] =	stream.indirect.gather [hbm4b:s3+s9], $0x20, s14, s9, $0xb8;
	[tilespmem:$0x14A00] =	vst v63  }
0x49: {  	s21 =	rddreg [dreg:$0xf]  }
0x4a: {  	[tilespmem:s15], [sflag:$0x2] =	stream.indirect.gather [hbm4b:s3+s9], $0x20, s25, s9, $0xb8;
	[tilespmem:$0x14A00] =	vst v63  }
0x4b: {  	s22 =	rddreg [dreg:$0x12]  }
0x4c: {  	[tilespmem:s4], [sflag:$0x2] =	stream.indirect.gather [hbm4b:s3+s9], $0x20, s28, s9, $0xb8;
	[tilespmem:$0x14A00] =	vst v63  }
0x4d: {  	s15 =	rddreg [dreg:$0xc]  }
0x4e: {  	[tilespmem:s15], [sflag:$0x2] =	stream.indirect.gather [hbm4b:s3+s9], $0x20, s17, s9, $0xb8;
	[tilespmem:$0x14A00] =	vst v63  }
0x4f: {  	s23 =	rddreg [dreg:$0x11]  }
0x50: {  	[tilespmem:s18], [sflag:$0x2] =	stream.indirect.gather [hbm4b:s3+s9], $0x20, s19, s9, $0xb8;
	[tilespmem:$0x14A00] =	vst v63  }
0x51: {  	s24 =	rddreg [dreg:$0x14]  }
0x52: {  	[tilespmem:s20], [sflag:$0x2] =	stream.indirect.gather [hbm4b:s3+s9], $0x20, s21, s9, $0xb8;
	[tilespmem:$0x14A00] =	vst v63  }
0x53: {  	s26 =	rddreg [dreg:$0x16]  }
0x54: {  	[tilespmem:s22], [sflag:$0x2] =	stream.indirect.gather [hbm4b:s3+s9], $0x20, s23, s9, $0xb8;
	[tilespmem:$0x14A00] =	vst v63  }
0x55: {  	s25 =	rddreg [dreg:$0x13]  }
0x56: {  	[tilespmem:s24], [sflag:$0x2] =	stream.indirect.gather [hbm4b:s3+s9], $0x20, s25, s9, $0xb8;
	[tilespmem:$0x14A00] =	vst v63  }
0x57: {  	s28 =	rddreg [dreg:$0x15]  }
0x58: {  	[tilespmem:s26], [sflag:$0x2] =	stream.indirect.gather [hbm4b:s3+s9], $0x20, s28, s9, $0xb8;
	[tilespmem:$0x14A00] =	vst v63  }
0x59: {  	_ =	swait.ge [sflag:s31], $0x1000  }
0x5a: {  	[sflag:s31] =	ssyncset.done $0x0  }
0x5b: {  	[sflag:s31] =	ssyncadd.s32 $0xFFFFF000  }
0x5c: {  	_ =	swait.ge [sflag:s31], $0x1000  }
0x5d: {  	[sflag:s31] =	ssyncset.done $0x0  }
0x5e: {  	[sflag:s31] =	ssyncadd.s32 $0xFFFFF000  }
0x5f: {  	_ =	swait.ge [sflag:s31], $0x1000  }
0x60: {  	[sflag:s31] =	ssyncset.done $0x0  }
0x61: {  	[sflag:s31] =	ssyncadd.s32 $0xFFFFF000  }
0x62: {  	_ =	swait.ge [sflag:s31], $0x1000  }
0x63: {  	[sflag:s31] =	ssyncset.done $0x0  }
0x64: {  	[sflag:s31] =	ssyncadd.s32 $0xFFFFF000  }
0x65: {  	_ =	swait.ge [sflag:s31], $0x1000  }
0x66: {  	[sflag:s31] =	ssyncset.done $0x0  }
0x67: {  	[sflag:s31] =	ssyncadd.s32 $0xFFFFF000  }
0x68: {  	_ =	swait.ge [sflag:s31], $0x1000  }
0x69: {  	[sflag:s31] =	ssyncset.done $0x0  }
0x6a: {  	[sflag:s31] =	ssyncadd.s32 $0xFFFFF000  }
0x6b: {  	_ =	swait.ge [sflag:s31], $0x1000  }
0x6c: {  	[sflag:s31] =	ssyncset.done $0x0  }
0x6d: {  	[sflag:s31] =	ssyncadd.s32 $0xFFFFF000  }
0x6e: {  	_ =	swait.ge [sflag:s31], $0x1000  }
0x6f: {  	[sflag:s31] =	ssyncset.done $0x0  }
0x70: {  	[sflag:s31] =	ssyncadd.s32 $0xFFFFF000  }
0x71: {  	_ =	swait.ge [sflag:s31], $0x1000  }
0x72: {  	[sflag:s31] =	ssyncset.done $0x0  }
0x73: {  	[sflag:s31] =	ssyncadd.s32 $0xFFFFF000  }
0x74: {  	_ =	swait.ge [sflag:s31], $0x1000  }
0x75: {  	[sflag:s31] =	ssyncset.done $0x0  }
0x76: {  	p0 =	por $0x0, $0x0;
	s6 =	rddreg [dreg:$0x3];
	[sflag:s31] =	ssyncadd.s32 $0xFFFFF000  }
0x77: {  	[hbm4b:s16+s2] =	stream.linear.scatter [tilespmem:s10], [sflag:$0x3], $0xA000, $0x38;
	[tilespmem:$0x14A00] =	vst v63  }
0x78: {  	s7 =	simm.s32 @!p0 $0x0;
	s14 =	simm.s32 @!p0 $0x5;
	s6 =	sadd.s32 @!p0 $0x0, s6  }
0x79: {  	[tilespmem:s7], [sflag:$0x5] =	stream.linear.gather @!p0 [hbm4b:s6+s7], $0x500, $0x38;
	[tilespmem:$0x14A00] =	vst v63  }
0x7a: {  	_ =	swait.ge @!p0 [sflag:s14], $0x500  }
0x7b: {  	[sflag:s14] =	ssyncset.done @!p0 $0x0  }
0x7c: {  	s6 =	simm.s32 @!p0 $0x3;
	[sflag:s14] =	ssyncadd.s32 @!p0 $0xFFFFFB00  }
0x7d: {  	_ =	swait.ge @!p0 [sflag:s6], $0xA000  }
0x7e: {  	[sflag:s6] =	ssyncset.done @!p0 $0x0  }
0x7f: {  	s14 =	simm.s32 @!p0 $0xA00;
	[sflag:s6] =	ssyncadd.s32 @!p0 $0xFFFF6000;
	s6 =	simm.s32 @!p0 $0x80  }
0x80: {  	[tilespmem:s14], [sflag:$0x1] =	stream.indirect.gather @!p0 [hbm4b:s3+s6], $0x20, s7, s6, $0xb8;
	[tilespmem:$0x14A00] =	vst v63  }
0x81: {  	s7 =	simm.s32 @!p0 $0x1A00  }
0x82: {  	[tilespmem:s7], [sflag:$0x1] =	stream.indirect.gather @!p0 [hbm4b:s3+s6], $0x20, s6, s6, $0xb8;
	[tilespmem:$0x14A00] =	vst v63  }
0x83: {  	s14 =	simm.s32 @!p0 $0x2A00;
	s7 =	simm.s32 @!p0 $0x100  }
0x84: {  	[tilespmem:s14], [sflag:$0x1] =	stream.indirect.gather @!p0 [hbm4b:s3+s6], $0x20, s7, s6, $0xb8;
	[tilespmem:$0x14A00] =	vst v63  }
0x85: {  	s7 =	simm.s32 @!p0 $0x180;
	s14 =	simm.s32 @!p0 $0x3A00  }
0x86: {  	[tilespmem:s14], [sflag:$0x1] =	stream.indirect.gather @!p0 [hbm4b:s3+s6], $0x20, s7, s6, $0xb8;
	[tilespmem:$0x14A00] =	vst v63  }
0x87: {  	s7 =	simm.s32 @!p0 $0x200;
	s14 =	simm.s32 @!p0 $0x4A00  }
0x88: {  	[tilespmem:s14], [sflag:$0x1] =	stream.indirect.gather @!p0 [hbm4b:s3+s6], $0x20, s7, s6, $0xb8;
	[tilespmem:$0x14A00] =	vst v63  }
0x89: {  	s7 =	simm.s32 @!p0 $0x280;
	s14 =	simm.s32 @!p0 $0x5A00  }
0x8a: {  	[tilespmem:s14], [sflag:$0x1] =	stream.indirect.gather @!p0 [hbm4b:s3+s6], $0x20, s7, s6, $0xb8;
	[tilespmem:$0x14A00] =	vst v63  }
0x8b: {  	s7 =	simm.s32 @!p0 $0x300;
	s14 =	simm.s32 @!p0 $0x6A00  }
0x8c: {  	[tilespmem:s14], [sflag:$0x1] =	stream.indirect.gather @!p0 [hbm4b:s3+s6], $0x20, s7, s6, $0xb8;
	[tilespmem:$0x14A00] =	vst v63  }
0x8d: {  	s7 =	simm.s32 @!p0 $0x380;
	s14 =	simm.s32 @!p0 $0x7A00  }
0x8e: {  	[tilespmem:s14], [sflag:$0x1] =	stream.indirect.gather @!p0 [hbm4b:s3+s6], $0x20, s7, s6, $0xb8;
	[tilespmem:$0x14A00] =	vst v63  }
0x8f: {  	s7 =	simm.s32 @!p0 $0x400;
	s14 =	simm.s32 @!p0 $0x8A00  }
0x90: {  	[tilespmem:s14], [sflag:$0x1] =	stream.indirect.gather @!p0 [hbm4b:s3+s6], $0x20, s7, s6, $0xb8;
	[tilespmem:$0x14A00] =	vst v63  }
0x91: {  	s7 =	simm.s32 @!p0 $0x480;
	s14 =	simm.s32 @!p0 $0x9A00  }
0x92: {  	[tilespmem:s14], [sflag:$0x1] =	stream.indirect.gather @!p0 [hbm4b:s3+s6], $0x20, s7, s6, $0xb8;
	[tilespmem:$0x14A00] =	vst v63  }
0x93: {  	_ =	swait.ge [sflag:s0], $0x1000  }
0x94: {  	[sflag:s0] =	ssyncset.done $0x0  }
0x95: {  	[sflag:s0] =	ssyncadd.s32 $0xFFFFF000  }
0x96: {  	_ =	swait.ge [sflag:s0], $0x1000  }
0x97: {  	[sflag:s0] =	ssyncset.done $0x0  }
0x98: {  	[sflag:s0] =	ssyncadd.s32 $0xFFFFF000  }
0x99: {  	_ =	swait.ge [sflag:s0], $0x1000  }
0x9a: {  	[sflag:s0] =	ssyncset.done $0x0  }
0x9b: {  	[sflag:s0] =	ssyncadd.s32 $0xFFFFF000  }
0x9c: {  	_ =	swait.ge [sflag:s0], $0x1000  }
0x9d: {  	[sflag:s0] =	ssyncset.done $0x0  }
0x9e: {  	[sflag:s0] =	ssyncadd.s32 $0xFFFFF000  }
0x9f: {  	_ =	swait.ge [sflag:s0], $0x1000  }
0xa0: {  	[sflag:s0] =	ssyncset.done $0x0  }
0xa1: {  	[sflag:s0] =	ssyncadd.s32 $0xFFFFF000  }
0xa2: {  	_ =	swait.ge [sflag:s0], $0x1000  }
0xa3: {  	[sflag:s0] =	ssyncset.done $0x0  }
0xa4: {  	[sflag:s0] =	ssyncadd.s32 $0xFFFFF000  }
0xa5: {  	_ =	swait.ge [sflag:s0], $0x1000  }
0xa6: {  	[sflag:s0] =	ssyncset.done $0x0  }
0xa7: {  	s15 =	sadd.s32 $0x2800, s13;
	s14 =	simm.s32 $0x140;
	[sflag:s0] =	ssyncadd.s32 $0xFFFFF000  }
0xa8: {  	s6 =	smov.u32 s16;
	s7 =	smov.u32 s13;
	_ =	swait.ge [sflag:s0], $0x1000  }
.LBB2_2:
0xa9: {  	[sflag:s0] =	ssyncset.done $0x0  }
0xaa: {  	[sflag:s0] =	ssyncadd.s32 $0xFFFFF000  }
0xab: {  	_ =	swait.ge [sflag:s0], $0x1000  }
0xac: {  	[sflag:s0] =	ssyncset.done $0x0  }
0xad: {  	[sflag:s0] =	ssyncadd.s32 $0xFFFFF000  }
0xae: {  	_ =	swait.ge [sflag:s0], $0x1000  }
0xaf: {  	[sflag:s0] =	ssyncset.done $0x0  }
0xb0: {  	s17 =	smov.u32 s14;
	s18 =	rddreg [dreg:$0x4];
	[sflag:s0] =	ssyncadd.s32 $0xFFFFF000  }
0xb1: {  	[hbm4b:s7+s2] =	stream.linear.scatter [tilespmem:s30], [sflag:$0x4], $0xA000, $0x38;
	[tilespmem:$0x14A00] =	vst v63  }
0xb2: {  	s18 =	sadd.s32 s17, s18  }
0xb3: {  	[tilespmem:s29], [sflag:$0x5] =	stream.linear.gather [hbm4b:s18+s2], $0x500, $0x38;
	[tilespmem:$0x14A00] =	vst v63  }
0xb4: {  	_ =	swait.ge [sflag:s8], $0x500  }
0xb5: {  	p1 =	seq.s32 s17, $0x0;
	[sflag:s8] =	ssyncset.done $0x0  }
0xb6: {  	s18 =	simm.s32 @!p1 $0x4;
	[sflag:s8] =	ssyncadd.s32 $0xFFFFFB00  }
0xb7: {  	_ =	swait.ge @!p1 [sflag:s18], $0xA000  }
0xb8: {  	s19 =	rddreg [dreg:$0x16]  }
0xb9: {  	s20 =	rddreg [dreg:$0x12]  }
0xba: {  	s21 =	rddreg [dreg:$0x10]  }
0xbb: {  	s22 =	rddreg [dreg:$0xe]  }
0xbc: {  	s23 =	rddreg [dreg:$0xc]  }
0xbd: {  	s24 =	rddreg [dreg:$0x9]  }
0xbe: {  	s25 =	rddreg [dreg:$0x7]  }
0xbf: {  	[sflag:s18] =	ssyncset.done @!p1 $0x0;
	s26 =	rddreg [dreg:$0x5]  }
0xc0: {  	s28 =	rddreg [dreg:$0x6];
	[sflag:s18] =	ssyncadd.s32 @!p1 $0xFFFF6000  }
0xc1: {  	[tilespmem:s30], [sflag:$0x2] =	stream.indirect.gather [hbm4b:s3+s9], $0x20, s29, s9, $0xb8;
	[tilespmem:$0x14A00] =	vst v63  }
0xc2: {  	s4 =	rddreg [dreg:$0x8]  }
0xc3: {  	[tilespmem:s28], [sflag:$0x2] =	stream.indirect.gather [hbm4b:s3+s9], $0x20, s26, s9, $0xb8;
	[tilespmem:$0x14A00] =	vst v63  }
0xc4: {  	s18 =	rddreg [dreg:$0x14]  }
0xc5: {  	[tilespmem:s4], [sflag:$0x2] =	stream.indirect.gather [hbm4b:s3+s9], $0x20, s25, s9, $0xb8;
	[tilespmem:$0x14A00] =	vst v63  }
0xc6: {  	s28 =	rddreg [dreg:$0xa]  }
0xc7: {  	[tilespmem:s28], [sflag:$0x2] =	stream.indirect.gather [hbm4b:s3+s9], $0x20, s24, s9, $0xb8;
	[tilespmem:$0x14A00] =	vst v63  }
0xc8: {  	s25 =	rddreg [dreg:$0xb]  }
0xc9: {  	[tilespmem:s23], [sflag:$0x2] =	stream.indirect.gather [hbm4b:s3+s9], $0x20, s25, s9, $0xb8;
	[tilespmem:$0x14A00] =	vst v63  }
0xca: {  	s28 =	rddreg [dreg:$0xd]  }
0xcb: {  	[tilespmem:s22], [sflag:$0x2] =	stream.indirect.gather [hbm4b:s3+s9], $0x20, s28, s9, $0xb8;
	[tilespmem:$0x14A00] =	vst v63  }
0xcc: {  	s23 =	rddreg [dreg:$0xf]  }
0xcd: {  	[tilespmem:s21], [sflag:$0x2] =	stream.indirect.gather [hbm4b:s3+s9], $0x20, s23, s9, $0xb8;
	[tilespmem:$0x14A00] =	vst v63  }
0xce: {  	s25 =	rddreg [dreg:$0x11]  }
0xcf: {  	[tilespmem:s20], [sflag:$0x2] =	stream.indirect.gather [hbm4b:s3+s9], $0x20, s25, s9, $0xb8;
	[tilespmem:$0x14A00] =	vst v63  }
0xd0: {  	s26 =	rddreg [dreg:$0x13]  }
0xd1: {  	[tilespmem:s18], [sflag:$0x2] =	stream.indirect.gather [hbm4b:s3+s9], $0x20, s26, s9, $0xb8;
	[tilespmem:$0x14A00] =	vst v63  }
0xd2: {  	s28 =	rddreg [dreg:$0x15]  }
0xd3: {  	[tilespmem:s19], [sflag:$0x2] =	stream.indirect.gather [hbm4b:s3+s9], $0x20, s28, s9, $0xb8;
	[tilespmem:$0x14A00] =	vst v63  }
0xd4: {  	_ =	swait.ge [sflag:s31], $0x1000  }
0xd5: {  	[sflag:s31] =	ssyncset.done $0x0  }
0xd6: {  	[sflag:s31] =	ssyncadd.s32 $0xFFFFF000  }
0xd7: {  	_ =	swait.ge [sflag:s31], $0x1000  }
0xd8: {  	[sflag:s31] =	ssyncset.done $0x0  }
0xd9: {  	[sflag:s31] =	ssyncadd.s32 $0xFFFFF000  }
0xda: {  	_ =	swait.ge [sflag:s31], $0x1000  }
0xdb: {  	[sflag:s31] =	ssyncset.done $0x0  }
0xdc: {  	[sflag:s31] =	ssyncadd.s32 $0xFFFFF000  }
0xdd: {  	_ =	swait.ge [sflag:s31], $0x1000  }
0xde: {  	[sflag:s31] =	ssyncset.done $0x0  }
0xdf: {  	[sflag:s31] =	ssyncadd.s32 $0xFFFFF000  }
0xe0: {  	_ =	swait.ge [sflag:s31], $0x1000  }
0xe1: {  	[sflag:s31] =	ssyncset.done $0x0  }
0xe2: {  	[sflag:s31] =	ssyncadd.s32 $0xFFFFF000  }
0xe3: {  	_ =	swait.ge [sflag:s31], $0x1000  }
0xe4: {  	[sflag:s31] =	ssyncset.done $0x0  }
0xe5: {  	[sflag:s31] =	ssyncadd.s32 $0xFFFFF000  }
0xe6: {  	_ =	swait.ge [sflag:s31], $0x1000  }
0xe7: {  	[sflag:s31] =	ssyncset.done $0x0  }
0xe8: {  	[sflag:s31] =	ssyncadd.s32 $0xFFFFF000  }
0xe9: {  	_ =	swait.ge [sflag:s31], $0x1000  }
0xea: {  	[sflag:s31] =	ssyncset.done $0x0  }
0xeb: {  	[sflag:s31] =	ssyncadd.s32 $0xFFFFF000  }
0xec: {  	_ =	swait.ge [sflag:s31], $0x1000  }
0xed: {  	[sflag:s31] =	ssyncset.done $0x0  }
0xee: {  	[sflag:s31] =	ssyncadd.s32 $0xFFFFF000  }
0xef: {  	_ =	swait.ge [sflag:s31], $0x1000  }
0xf0: {  	s6 =	sadd.s32 $0x2800, s6;
	[sflag:s31] =	ssyncset.done $0x0  }
0xf1: {  	p1 =	seq.s32 s17, $0x30C0;
	s4 =	rddreg [dreg:$0x3];
	[sflag:s31] =	ssyncadd.s32 $0xFFFFF000  }
0xf2: {  	[hbm4b:s6+s2] =	stream.linear.scatter [tilespmem:s10], [sflag:$0x3], $0xA000, $0x38;
	[tilespmem:$0x14A00] =	vst v63  }
0xf3: {  	s18 =	simm.s32 @!p1 $0x5;
	s4 =	sadd.s32 @!p1 s17, s4;
	s17 =	simm.s32 @!p1 $0x0  }
0xf4: {  	[tilespmem:s17], [sflag:$0x5] =	stream.linear.gather @!p1 [hbm4b:s4+s17], $0x500, $0x38;
	[tilespmem:$0x14A00] =	vst v63  }
0xf5: {  	_ =	swait.ge @!p1 [sflag:s18], $0x500  }
0xf6: {  	[sflag:s18] =	ssyncset.done @!p1 $0x0  }
0xf7: {  	s4 =	simm.s32 @!p1 $0x3;
	[sflag:s18] =	ssyncadd.s32 @!p1 $0xFFFFFB00  }
0xf8: {  	_ =	swait.ge @!p1 [sflag:s4], $0xA000  }
0xf9: {  	[sflag:s4] =	ssyncset.done @!p1 $0x0  }
0xfa: {  	s18 =	simm.s32 @!p1 $0xA00;
	[sflag:s4] =	ssyncadd.s32 @!p1 $0xFFFF6000;
	s4 =	simm.s32 @!p1 $0x80  }
0xfb: {  	[tilespmem:s18], [sflag:$0x1] =	stream.indirect.gather @!p1 [hbm4b:s3+s4], $0x20, s17, s4, $0xb8;
	[tilespmem:$0x14A00] =	vst v63  }
0xfc: {  	s17 =	simm.s32 @!p1 $0x1A00  }
0xfd: {  	[tilespmem:s17], [sflag:$0x1] =	stream.indirect.gather @!p1 [hbm4b:s3+s4], $0x20, s4, s4, $0xb8;
	[tilespmem:$0x14A00] =	vst v63  }
0xfe: {  	s18 =	simm.s32 @!p1 $0x2A00;
	s17 =	simm.s32 @!p1 $0x100  }
0xff: {  	[tilespmem:s18], [sflag:$0x1] =	stream.indirect.gather @!p1 [hbm4b:s3+s4], $0x20, s17, s4, $0xb8;
	[tilespmem:$0x14A00] =	vst v63  }
0x100: {  	s17 =	simm.s32 @!p1 $0x180;
	s18 =	simm.s32 @!p1 $0x3A00  }
0x101: {  	[tilespmem:s18], [sflag:$0x1] =	stream.indirect.gather @!p1 [hbm4b:s3+s4], $0x20, s17, s4, $0xb8;
	[tilespmem:$0x14A00] =	vst v63  }
0x102: {  	s17 =	simm.s32 @!p1 $0x200;
	s18 =	simm.s32 @!p1 $0x4A00  }
0x103: {  	[tilespmem:s18], [sflag:$0x1] =	stream.indirect.gather @!p1 [hbm4b:s3+s4], $0x20, s17, s4, $0xb8;
	[tilespmem:$0x14A00] =	vst v63  }
0x104: {  	s17 =	simm.s32 @!p1 $0x280;
	s18 =	simm.s32 @!p1 $0x5A00  }
0x105: {  	[tilespmem:s18], [sflag:$0x1] =	stream.indirect.gather @!p1 [hbm4b:s3+s4], $0x20, s17, s4, $0xb8;
	[tilespmem:$0x14A00] =	vst v63  }
0x106: {  	s17 =	simm.s32 @!p1 $0x300;
	s18 =	simm.s32 @!p1 $0x6A00  }
0x107: {  	[tilespmem:s18], [sflag:$0x1] =	stream.indirect.gather @!p1 [hbm4b:s3+s4], $0x20, s17, s4, $0xb8;
	[tilespmem:$0x14A00] =	vst v63  }
0x108: {  	s17 =	simm.s32 @!p1 $0x380;
	s18 =	simm.s32 @!p1 $0x7A00  }
0x109: {  	[tilespmem:s18], [sflag:$0x1] =	stream.indirect.gather @!p1 [hbm4b:s3+s4], $0x20, s17, s4, $0xb8;
	[tilespmem:$0x14A00] =	vst v63  }
0x10a: {  	s17 =	simm.s32 @!p1 $0x400;
	s18 =	simm.s32 @!p1 $0x8A00  }
0x10b: {  	[tilespmem:s18], [sflag:$0x1] =	stream.indirect.gather @!p1 [hbm4b:s3+s4], $0x20, s17, s4, $0xb8;
	[tilespmem:$0x14A00] =	vst v63  }
0x10c: {  	s17 =	simm.s32 @!p1 $0x480;
	s18 =	simm.s32 @!p1 $0x9A00  }
0x10d: {  	[tilespmem:s18], [sflag:$0x1] =	stream.indirect.gather @!p1 [hbm4b:s3+s4], $0x20, s17, s4, $0xb8;
	[tilespmem:$0x14A00] =	vst v63  }
0x10e: {  	_ =	swait.ge [sflag:s0], $0x1000  }
0x10f: {  	[sflag:s0] =	ssyncset.done $0x0  }
0x110: {  	[sflag:s0] =	ssyncadd.s32 $0xFFFFF000  }
0x111: {  	_ =	swait.ge [sflag:s0], $0x1000  }
0x112: {  	[sflag:s0] =	ssyncset.done $0x0  }
0x113: {  	[sflag:s0] =	ssyncadd.s32 $0xFFFFF000  }
0x114: {  	_ =	swait.ge [sflag:s0], $0x1000  }
0x115: {  	[sflag:s0] =	ssyncset.done $0x0  }
0x116: {  	[sflag:s0] =	ssyncadd.s32 $0xFFFFF000  }
0x117: {  	_ =	swait.ge [sflag:s0], $0x1000  }
0x118: {  	[sflag:s0] =	ssyncset.done $0x0  }
0x119: {  	[sflag:s0] =	ssyncadd.s32 $0xFFFFF000  }
0x11a: {  	_ =	swait.ge [sflag:s0], $0x1000  }
0x11b: {  	[sflag:s0] =	ssyncset.done $0x0  }
0x11c: {  	[sflag:s0] =	ssyncadd.s32 $0xFFFFF000  }
0x11d: {  	s14 =	sadd.s32 $0x140, s14;
	_ =	swait.ge [sflag:s0], $0x1000  }
0x11e: {  	p0 =	sne.s32 s14, $0x3200;
	[sflag:s0] =	ssyncset.done $0x0  }
.Ltmp0:
0x11f: {  	[sflag:s0] =	ssyncadd.s32 $0xFFFFF000;
	(pc) =	sbr.rel @p0 .LBB2_2-.Ltmp0, $4  }
0x120: {  	_ =	swait.ge [sflag:s0], $0x1000  }
0x121: {  	[sflag:s0] =	ssyncset.done $0x0  }
0x122: {  	[sflag:s0] =	ssyncadd.s32 $0xFFFFF000  }
0x123: {  	s7 =	smov.u32 s15;
	s15 =	sadd.s32 $0x2800, s15;
	_ =	swait.ge [sflag:s0], $0x1000  }
0x124: {  	[sflag:s0] =	ssyncset.done $0x0  }
0x125: {  	[sflag:s0] =	ssyncadd.s32 $0xFFFFF000  }
0x126: {  	_ =	swait.ge [sflag:s0], $0x1000  }
0x127: {  	[sflag:s0] =	ssyncset.done $0x0  }
0x128: {  	[sflag:s0] =	ssyncadd.s32 $0xFFFFF000  }
0x129: {  	_ =	swait.ge [sflag:s0], $0x1000  }
0x12a: {  	[sflag:s0] =	ssyncset.done $0x0  }
0x12b: {  	s12 =	sadd.s32 $0x1, s12;
	[sflag:s0] =	ssyncadd.s32 $0xFFFFF000  }
0x12c: {  	[hbm4b:s7+s2] =	stream.linear.scatter [tilespmem:s30], [sflag:$0x4], $0xA000, $0x38;
	[tilespmem:$0x14A00] =	vst v63  }
0x12d: {  	p0 =	sne.s32 s12, s5;
	_ =	swait.ge [sflag:s1], $0xA000  }
.Ltmp1:
0x12e: {  	[sflag:s1] =	ssyncset.done $0x0;
	(pc) =	sbr.rel @p0 .LBB2_1-.Ltmp1, $4  }
0x12f: {  	[sflag:s1] =	ssyncadd.s32 $0xFFFF6000  }
0x130: {  	_ =	swait.ge [sflag:s11], $0xA000  }
0x131: {  	[sflag:s11] =	ssyncset.done $0x0  }
0x132: {  	[sflag:s11] =	ssyncadd.s32 $0xFFFF6000  }
0x133: {  	_ =	sfence.sel $0x180000  }
0x134: {  	[bflag:$0x0] =	sbarrier.arrive $0xFFFF  }
0x135: {  	_ =	strace $0x90000047  }
0x136: {  	s0 =	stileid.u32;
	[bflag:$0x2] =	sbarrier.arrive $0xFFFF  }
0x137: {  	p0 =	sne.s32 s0, $0x0;
	s0 =	rddreg [dreg:$0x2]  }
0x138: {  	s0 =	sadd.s32 @!p0 $0x100000, s0  }
0x139: {  	[sflag:s0] =	ssyncadd.tile.s32 @!p0 $0x1;
	_ =	shalt  }
.Lfunc_end2:
_tile_overlayer_lowered:
.L_overlay_start_2:
0x13a: {  	(tag) =	ssettag $0x2  }
0x13b: {  	s0 =	rddreg [dreg:$0x0];
	s2 =	stileid.u32  }
0x13c: {  	s1 =	rddreg [dreg:$0x1];
	p0 =	sne.s32 s2, $0x0  }
0x13d: {  	s3 =	rddreg [dreg:$0x2];
	[bflag:$0x3] =	sbarrier.arrive $0xFFFF;
	s2 =	simm.s32 @!p0 $0x1C05  }
0x13e: {  	[timem:s3], [sflag:s2] =	dma.local @!p0 [hbm:s0], s1  }
0x13f: {  	s0 =	simm.s32 @!p0 $0x5  }
0x140: {  	_ =	swait.ge @!p0 [sflag:s0], s1  }
0x141: {  	s1 =	ssub.s32 @!p0 $0x0, s1;
	[sflag:s0] =	ssyncset.done @!p0 $0x0  }
0x142: {  	[sflag:s0] =	ssyncadd.s32 @!p0 s1  }
0x143: {  	[bflag:$0x3] =	sbarrier.arrive $0xFFFF  }
0x144: {  	_ =	shalt  }

// kernel: sparse-core-data-format-call.cloned.1.call-start
scs
called_computation_lowered:
.L_overlay_start_0:
0x0: {  	s2 =	sld [smem:$0x3FD9]  }
0x1: {  	s3 =	sld [smem:$0x3FFE];
	_ =	sdelay $0x1  }
0x2: {  	s1 =	srdreg.scid  }
0x3: {  	s0 =	sand.u32 $0x1, s1  }
0x4: {  	s18 =	sshll.u32 s0, $0xA;
	s2 =	sadd.s32 s3, s2  }
0x5: {  	s2 =	sadd.s32 s2, s18  }
0x6: {  	[smem:$0x3FC6] =	sst s2  }
0x7: {  	_ = 	snop  }
0x8: {  	s2 =	sld [smem:$0x3FD0];
	(tm) =	ssettm $0x1  }
0x9: {  	s19 =	sld [smem:$0x3FFB];
	_ =	sdelay $0x3  }
0xa: {  	_ =	strace s19  }
0xb: {  	s3 =	sld [smem:$0x3FFC];
	_ =	sdelay $0x3  }
0xc: {  	_ =	strace s3  }
0xd: {  	s3 =	sld [smem:$0x3FFD];
	_ =	sdelay $0x3  }
0xe: {  	_ =	strace s3  }
0xf: {  	_ =	strace $0x8FFFFFFF  }
0x10: {  	s20 =	sld [smem:$0x3FDB];
	_ =	sdelay $0x1  }
0x11: {  	s4 =	simm.s32 $_scs_section_size  }
0x12: {  	s5 =	simm.s32 $_size__tile_overlayer_lowered;
	s6 =	simm.s32 $_tile_overlayer_lowered  }
0x13: {  	s23 =	simm.s32 $0x1BFF;
	s22 =	sshll.u32 s6, $0x1;
	s3 =	sadd.s32 s4, s20  }
0x14: {  	s7 =	simm.s32 $0x0;
	s21 =	sshll.u32 s5, $0x1;
	s5 =	sadd.s32 s22, s3  }
0x15: {  	[timem:s7], [sflag:s23] =	dma.local [hbm:s5], s21  }
0x16: {  	_ =	swait.ge [sflag:s23], s21  }
0x17: {  	s4 =	ssub.s32 $0x0, s21;
	[sflag:s23] =	ssyncset.done $0x0  }
0x18: {  	[sflag:s23] =	ssyncadd.s32 s4;
	_ =	sdelay $0x1  }
0x19: {  	s24 =	simm.s32 $0x1B8B  }
0x1a: {  	_ =	swait.ge [sflag:s24], $0x1  }
0x1b: {  	[sflag:s24] =	ssyncset.done $0x0  }
0x1c: {  	s26 =	simm.s32 $0x1B8E;
	s25 =	sld [smem:$0x3FFE];
	[sflag:s24] =	ssyncadd.s32 $0xFFFFFFFF  }
0x1d: {  	s27 =	simm.s32 $execute0_lowered;
	[smem:$0x3FD2] =	sst s26  }
0x1e: {  	s5 =	sshll.u32 s27, $0x1;
	_ =	strace $0x80000049;
	[dreg:$0x1] =	wrdreg $0xFFFFFFFF  }
0x1f: {  	s28 =	simm.s32 $_size_execute0_lowered;
	s3 =	sadd.s32 s3, s5;
	[dreg:$0x0] =	wrdreg $0x0  }
0x20: {  	s5 =	sshll.u32 s28, $0x1;
	[dreg:$0x2] =	wrdreg s3  }
0x21: {  	[dreg:$0x3] =	wrdreg s5  }
0x22: {  	[dreg:$0x4] =	wrdreg $0xC0  }
0x23: {  	_ =	task [dreg:s7], $0x5FFFF  }
0x24: {  	[dreg:$0x1] =	wrdreg $0xFFFFFFFF  }
0x25: {  	[dreg:$0x0] =	wrdreg $0x60  }
0x26: {  	[dreg:$0x2] =	wrdreg s25  }
0x27: {  	[dreg:$0x3] =	wrdreg s2  }
0x28: {  	[dreg:$0x4] =	wrdreg $0x9  }
0x29: {  	_ =	task.clear_ibuf [dreg:s7], $0x5FFFF;
	_ =	strace $0x90000049  }
0x2a: {  	s29 =	simm.s32 $0x9;
	_ =	strace $0x8000004B  }
0x2b: {  	_ =	swait.ge [sflag:s29], $0x1  }
0x2c: {  	[sflag:s29] =	ssyncadd.s32 $0xFFFFFFFF  }
0x2d: {  	_ =	strace $0x9000004B  }
0x2e: {  	_ =	sfence  }
0x2f: {  	s30 =	sld [smem:$0x0];
	_ =	sdelay $0x2  }
0x30: {  	s31 =	sshll.u32 s1, $0xD;
	s1 =	sshrl.u32 s1, $0x2  }
0x31: {  	s3 =	sand.u32 $0x4000, s31;
	s1 =	sadd.s32 s1, s30  }
0x32: {  	s0 =	sor.u32 s3, s0;
	s1 =	sshll.u32 s1, $0x11  }
0x33: {  	s0 =	sor.u32 s1, s0  }
0x34: {  	s0 =	sadd.s32 $0x8F2B, s0  }
0x35: {  	[sflag:s0] =	ssyncadd.remote.s32 $0x1  }
0x36: {  	_ =	sfence.sel $0xFFFF  }
0x37: {  	[dreg:$0x0] =	wrdreg $0xFFFFFFFF;
	(pc) =	sbr.abs _section_cstart, $3  }
0x38: {  	[dreg:$0x1] =	wrdreg $0xFFFFFFFF  }
0x39: {  	_ =	task.clear_ibuf [dreg:s7], $0x2FFFF;
	_ =	strace $0x9FFFFFFF  }
0x3a: {  	(tm) =	ssettm $0x7FFFFFFF  }
0x3b: {  	_ =	shalt  }
tec
execute0_lowered:
.L_overlay_start_1:
0x0: {  	(tag) =	ssettag $0x1  }
0x1: {  	s0 =	srdreg.scid  }
0x2: {  	s1 =	sshll.u32 s0, $0x4  }
0x3: {  	s0 =	stileid.u32;
	s1 =	sand.u32 $0x10, s1  }
0x4: {  	s1 =	sor.u32 s0, s1  }
0x5: {  	s6 =	rddreg [dreg:$0x0];
	s4 =	simm.s32 $0x1;
	s2 =	sshll.u32 s1, $0x7  }
0x6: {  	s7 =	simm.s32 $0x2;
	s12 =	simm.s32 $0x0;
	s1 =	ssub.s32 $0x4000, s2  }
0x7: {  	s8 =	simm.s32 $0x20000;
	s13 =	simm.s32 $0x0;
	s3 =	sand.u32 $0xF80, s1  }
0x8: {  	s9 =	simm.s32 $0x0;
	s5 =	sshrl.u32 s1, $0xC;
	p0 =	sne.s32 s3, $0x0  }
.Ltmp0:
0x9: {  	s1 =	rddreg [dreg:$0x2];
	s4 =	simm.s32 @!p0 $0x0;
	(pc) =	sbr.rel .LBB1_1-.Ltmp0, $4  }
0xa: {  	s11 =	simm.s32 $0x0;
	s3 =	rddreg [dreg:$0x1];
	s5 =	sadd.s32 s4, s5  }
0xb: {  	_ =	strace $0x8000004A;
	s4 =	simm.s32 $0x1;
	s5 =	smul.u32 $0xC8, s5  }
0xc: {  	s6 =	sadd.s32 $0x800, s6;
	s10 =	smov.u32 s2;
	[sflag:s4] =	ssyncpa.u1 $0x0  }
0xd: {  	p0 =	por $0x0, $0x0;
	[sflag:s7] =	ssyncpa.u1 $0x0;
	s7 =	sor.u32 $0x1, s5  }
.LBB1_4:
0xe: {  	s16 =	sshll.u32 s13, $0x3;
	s17 =	sand.u32 $0x78, s13  }
0xf: {  	s30 =	sand.u32 $0xF800, s13;
	s12 =	sshll.u32 s12, $0x10;
	s16 =	sand.u32 $0x3C00, s16  }
0x10: {  	s31 =	sand.u32 $0x7, s13;
	s16 =	sor.u32 s17, s16;
	s17 =	sadd.s32 s3, s30  }
0x11: {  	s13 =	sshll.u32 s31, $0x12;
	s16 =	sshrl.u32 s16, $0x3;
	s12 =	sadd.s32 s12, s17  }
0x12: {  	[tilespmem:s15+$0x0 ss:$0x81] =	vst.msk $0xffff, v0;
	s13 =	sor.u32 $0x400, s13;
	s12 =	sadd.s32 s16, s12  }
0x13: {  	[hbm4b:s12+s13] =	stream.strided.scatter [tilespmem:s14], [sflag:$0x2], $0x1000, s8, s13, $0x20;
	[tilespmem:$0x4040] =	vst v63  }
.LBB1_5:
0x14: {  	s14 =	sadd.s32 $0x1, s9  }
0x15: {  	s12 =	sadd.s32 $0x1000, s10;
	s16 =	smov.u32 s10;
	p2 =	sgt.s32 s14, $0xC7  }
0x16: {  	s16 =	smov.u32 @p2 s12  }
0x17: {  	s14 =	simm.s32 @p2 $0x0;
	p2 =	sgt.s32 s16, $0x3FFF  }
0x18: {  	s16 =	smov.u32 @p2 s2;
	p2 =	sne.s32 s11, s7  }
.Ltmp1:
0x19: {  	p1 =	slt.u32 s11, $0x2;
	(pc) =	sbr.rel @!p2 .LBB1_6-.Ltmp1, $4  }
0x1a: {  	s15 =	simm.s32 @!p1 $0x2  }
0x1b: {  	s13 =	smov.u32 s10;
	p0 =	por !p0, !p0;
	_ =	swait.ge @!p1 [sflag:s15], $0x1000  }
0x1c: {  	s12 =	smov.u32 s9;
	[sflag:s15] =	ssyncset.done @!p1 $0x0;
	s9 =	smov.u32 s14  }
0x1d: {  	s11 =	sadd.s32 $0x1, s11;
	[sflag:s15] =	ssyncadd.s32 @!p1 $0xFFFFF000;
	s10 =	smov.u32 s16  }
.LBB1_1:
0x1e: {  	p1 =	sge.u32 s11, s5  }
0x1f: {  	s14 =	sand.u32 @!p1 $0x1FFFFFF, s9  }
0x20: {  	s15 =	smulhi.u32 @!p1 $0x147AE15, s14;
	_ =	sdelay $0x1  }
0x21: {  	s15 =	smul.u32 @!p1 $0xC8, s15  }
0x22: {  	s16 =	sxor.u32 @!p1 $0xFFFFFFFF, s11;
	s17 =	smul.u32 @!p1 $0xC80, s10  }
0x23: {  	s31 =	sadd.s32 $0xFFFFFFFF, s11;
	s16 =	sshll.u32 @!p1 s16, $0xC;
	s14 =	ssub.s32 @!p1 s14, s15  }
0x24: {  	s15 =	sand.u32 @!p1 $0x1000, s16;
	s16 =	sadd.s32 @!p1 s6, s17;
	s14 =	sshll.u32 @!p1 s14, $0x4  }
0x25: {  	s17 =	simm.s32 @!p1 $0x6400;
	s14 =	sadd.s32 @!p1 s14, s16;
	s16 =	simm.s32 @!p1 $0x20  }
0x26: {  	[tilespmem:s15], [sflag:$0x1] =	stream.strided.gather @!p1 [hbm4b:s14+s16], $0x1000, s17, s16, $0x38;
	[tilespmem:$0x4040] =	vst v63  }
0x27: {  	p1 =	sge.u32 s31, s5  }
.Ltmp2:
0x28: {  	_ = 	snop;
	(pc) =	sbr.rel @p1 .LBB1_5-.Ltmp2, $1  }
0x29: {  	_ =	sdelay $0x3  }
0x2a: {  	s14 =	simm.s32 $0x1  }
0x2b: {  	_ =	swait.ge [sflag:s4], $0x1000;
	s14 =	simm.s32 @!p0 $0x0  }
0x2c: {  	[sflag:s4] =	ssyncset.done $0x0;
	s15 =	sshll.u32 s14, $0xC  }
0x2d: {  	[sflag:s4] =	ssyncadd.s32 $0xFFFFF000;
	s18 =	sor.u32 $0x10, s15  }
0x2e: {  	s14 =	smul.u32 $0x4080, s14;
	v1 =	vld [tilespmem:s18+$0x0]  }
0x2f: {  	s30 =	sand.u32 $0x1, s11;
	v0 =	vld [tilespmem:s18+$0xFFFFFFF0]  }
0x30: {  	s15 =	smul.u32 $0x4080, s30;
	s14 =	sshrl.u32 s14, $0x2  }
0x31: {  	s16 =	sor.u32 $0x2000, s14  }
0x32: {  	s31 =	sshrl.u32 s15, $0x2;
	s15 =	sadd.s32 $0x0, s16  }
0x33: {  	s17 =	simm.s32 $0x4;
	s18 =	sadd.s32 $0x20, s18;
	s14 =	sor.u32 $0x2000, s31;
	[tilespmem:s15+$0x810 ss:$0x81] =	vst.msk $0xffff, v1  }
.LBB1_3:
0x34: {  	v1 =	vld [tilespmem:s18+$0x0];
	p1 =	sne.s32 s17, $0x1FC;
	[tilespmem:s15+$0x0 ss:$0x81] =	vst.msk $0xffff, v0;
	s15 =	smov.u32 s17;
	s17 =	sadd.s32 $0x4, s17  }
.Ltmp3:
0x35: {  	v0 =	vld [tilespmem:s18+$0xFFFFFFF0];
	(pc) =	sbr.rel @p1 .LBB1_3-.Ltmp3, $4  }
0x36: {  	_ = 	snop  }
0x37: {  	s15 =	sshra.s32 s15, $0x2  }
0x38: {  	s15 =	sadd.s32 s15, s16  }
0x39: {  	s18 =	sadd.s32 $0x20, s18;
	[tilespmem:s15+$0x810 ss:$0x81] =	vst.msk $0xffff, v1  }
.Ltmp4:
0x3a: {  	_ = 	snop;
	(pc) =	sbr.rel .LBB1_4-.Ltmp4, $1  }
0x3b: {  	_ =	sdelay $0x3  }
.LBB1_6:
0x3c: {  	_ =	sfence.sel $0x180000  }
0x3d: {  	s2 =	simm.s32 $0x1;
	[bflag:$0x0] =	sbarrier.arrive $0xFFFF  }
0x3e: {  	s31 =	simm.s32 $0x2;
	[sflag:s2] =	ssyncpa.u1 $0x1  }
0x3f: {  	[sflag:s31] =	ssyncpa.u1 $0x1  }
0x40: {  	p0 =	sne.s32 s0, $0x0;
	_ =	strace $0x9000004A  }
0x41: {  	s0 =	sadd.s32 @!p0 $0x100000, s1;
	[bflag:$0x2] =	sbarrier.arrive $0xFFFF  }
0x42: {  	[sflag:s0] =	ssyncadd.tile.s32 @!p0 $0x1;
	_ =	shalt  }
.Lfunc_end1:
_tile_overlayer_lowered:
.L_overlay_start_2:
0x43: {  	(tag) =	ssettag $0x2  }
0x44: {  	s0 =	rddreg [dreg:$0x0];
	s2 =	stileid.u32  }
0x45: {  	s1 =	rddreg [dreg:$0x1];
	p0 =	sne.s32 s2, $0x0  }
0x46: {  	s3 =	rddreg [dreg:$0x2];
	[bflag:$0x3] =	sbarrier.arrive $0xFFFF;
	s2 =	simm.s32 @!p0 $0x1C01  }
0x47: {  	[timem:s3], [sflag:s2] =	dma.local @!p0 [hbm:s0], s1  }
0x48: {  	s0 =	simm.s32 @!p0 $0x1  }
0x49: {  	_ =	swait.ge @!p0 [sflag:s0], s1  }
0x4a: {  	s1 =	ssub.s32 @!p0 $0x0, s1;
	[sflag:s0] =	ssyncset.done @!p0 $0x0  }
0x4b: {  	[sflag:s0] =	ssyncadd.s32 @!p0 s1  }
0x4c: {  	[bflag:$0x3] =	sbarrier.arrive $0xFFFF  }
0x4d: {  	_ =	shalt  }

</sc_bundles>
